<compile_context>
chip_gen: v7x
topology: tpu7x:2x2x1
jax: 0.10.2.dev20260603
libtpu: 0.0.44.dev20260713+nightly
codegen_flags: <defaults>
</compile_context>

<pallas_src>
import jax
import jax.numpy as jnp
from jax import lax
from jax.experimental import pallas as pl
from jax.experimental.pallas import tpu as pltpu
from jax.experimental.pallas import tpu_sc as plsc

_NUM_BINS = 50
_F = 6
_EMB = 64
_H1 = 256
_H2 = 128
_BT = 512
_NW = 16
_SC_FRAC = 8


def _sc_gather(table_hbm, idx_hbm, out_hbm, idxb, rows, gsem, osem):
    wid = lax.axis_index("s") + lax.axis_index("c") * 16
    rpw = idx_hbm.shape[0] // _NW
    half = rpw // 2
    base_w = wid * rpw
    iot = lax.iota(jnp.int32, 16)

    pltpu.sync_copy(idx_hbm.at[pl.ds(base_w, rpw)], idxb)

    def modloop(j, _):
        v = idxb[pl.ds(j * 16, 16)]
        pos = j * 16 + iot
        f = lax.rem(pos, _F)
        idxb[pl.ds(j * 16, 16)] = lax.rem(v, _NUM_BINS) + _NUM_BINS * f
        return 0

    lax.fori_loop(0, rpw // 16, modloop, 0)

    g0 = pltpu.async_copy(table_hbm.at[idxb.at[pl.ds(0, half)]],
                          rows.at[0], gsem)
    g1 = pltpu.async_copy(table_hbm.at[idxb.at[pl.ds(half, half)]],
                          rows.at[1], gsem)
    g0.wait()
    o0 = pltpu.async_copy(rows.at[0], out_hbm.at[pl.ds(base_w, half)], osem)
    g1.wait()
    o1 = pltpu.async_copy(rows.at[1],
                          out_hbm.at[pl.ds(base_w + half, half)], osem)
    o0.wait()
    o1.wait()


def _mlp_kernel(idx_ref, embs_ref, W1_ref, b1_ref, W2_ref, b2_ref,
                out_ref, T_ref):
    @pl.when(pl.program_id(0) == 0)
    def _():
        for f in range(_F):
            T_ref[f] = jnp.dot(embs_ref[f],
                               W1_ref[f * _EMB:(f + 1) * _EMB, :],
                               preferred_element_type=jnp.float32)

    idx = jax.lax.rem(idx_ref[0], _NUM_BINS)
    acc = None
    for f in range(_F):
        row = idx[f]
        iot = jax.lax.broadcasted_iota(jnp.int32, (_NUM_BINS, _BT), 0)
        ohT = (row[None, :] == iot).astype(jnp.float32)
        part = jax.lax.dot_general(
            ohT, T_ref[f], (((0,), (0,)), ((), ())),
            preferred_element_type=jnp.float32)
        acc = part if acc is None else acc + part
    h1 = acc + b1_ref[...]
    h1 = jnp.where(h1 >= 0, h1, 0.2 * h1)
    h2 = jnp.dot(h1, W2_ref[...], preferred_element_type=jnp.float32)
    h2 = h2 + b2_ref[...]
    out_ref[...] = jnp.where(h2 >= 0, h2, 0.2 * h2)


def _dense_kernel(x_ref, W1_ref, b1_ref, W2_ref, b2_ref, head_ref, out_ref):
    del head_ref
    x = x_ref[...].astype(jnp.float32)
    h1 = jnp.dot(x, W1_ref[...], preferred_element_type=jnp.float32)
    h1 = h1 + b1_ref[...]
    h1 = jnp.where(h1 >= 0, h1, 0.2 * h1)
    h2 = jnp.dot(h1, W2_ref[...], preferred_element_type=jnp.float32)
    h2 = h2 + b2_ref[...]
    out_ref[...] = jnp.where(h2 >= 0, h2, 0.2 * h2)


def kernel(year, month, day, day_of_week, hour, minute,
           emb_year, emb_month, emb_day, emb_day_of_week, emb_hour,
           emb_minute, W1, b1, W2, b2):
    B = year.shape[0]
    bsc = B // _SC_FRAC
    b0 = B - bsc
    b1r = b1.reshape(1, _H1)
    b2r = b2.reshape(1, _H2)

    idx_all = jnp.stack([year, month, day, day_of_week, hour, minute],
                        axis=1).astype(jnp.int32)

    raw_sc = idx_all[b0:].reshape(-1)
    table = jnp.concatenate(
        [emb_year, emb_month, emb_day, emb_day_of_week, emb_hour,
         emb_minute], axis=0).astype(jnp.bfloat16)
    rpw = _F * bsc // _NW
    mesh = plsc.VectorSubcoreMesh(core_axis_name="c", subcore_axis_name="s",
                                  num_cores=1)
    gathered = pl.kernel(
        _sc_gather,
        out_type=jax.ShapeDtypeStruct((_F * bsc, _EMB), jnp.bfloat16),
        mesh=mesh,
        scratch_types=[
            pltpu.VMEM((rpw,), jnp.int32),
            pltpu.VMEM((2, rpw // 2, _EMB), jnp.bfloat16),
            pltpu.SemaphoreType.DMA,
            pltpu.SemaphoreType.DMA,
        ],
        compiler_params=pltpu.CompilerParams(use_tc_tiling_on_sc=False),
    )(table, raw_sc)
    x_sc = gathered.reshape(bsc, _F * _EMB)

    grid0 = b0 // _BT
    idx3 = idx_all[:b0].reshape(grid0, _BT, _F).transpose(0, 2, 1)
    embs = jnp.stack([emb_year, emb_month, emb_day, emb_day_of_week,
                      emb_hour, emb_minute])
    out_head = pl.pallas_call(
        _mlp_kernel,
        grid=(grid0,),
        in_specs=[
            pl.BlockSpec((1, _F, _BT), lambda i: (i, 0, 0)),
            pl.BlockSpec((_F, _NUM_BINS, _EMB), lambda i: (0, 0, 0)),
            pl.BlockSpec(W1.shape, lambda i: (0, 0)),
            pl.BlockSpec((1, _H1), lambda i: (0, 0)),
            pl.BlockSpec(W2.shape, lambda i: (0, 0)),
            pl.BlockSpec((1, _H2), lambda i: (0, 0)),
        ],
        out_specs=pl.BlockSpec((_BT, _H2), lambda i: (i, 0)),
        out_shape=jax.ShapeDtypeStruct((B, _H2), jnp.float32),
        scratch_shapes=[pltpu.VMEM((_F, _NUM_BINS, _H1), jnp.float32)],
    )(idx3, embs, W1, b1r, W2, b2r)

    grid1 = bsc // _BT
    t0 = grid0
    out = pl.pallas_call(
        _dense_kernel,
        grid=(grid1,),
        in_specs=[
            pl.BlockSpec((_BT, _F * _EMB), lambda i: (i, 0)),
            pl.BlockSpec(W1.shape, lambda i: (0, 0)),
            pl.BlockSpec((1, _H1), lambda i: (0, 0)),
            pl.BlockSpec(W2.shape, lambda i: (0, 0)),
            pl.BlockSpec((1, _H2), lambda i: (0, 0)),
            pl.BlockSpec(memory_space=pl.ANY),
        ],
        out_specs=pl.BlockSpec((_BT, _H2), lambda i: (t0 + i, 0)),
        out_shape=jax.ShapeDtypeStruct((B, _H2), jnp.float32),
        input_output_aliases={5: 0},
    )(x_sc, W1, b1r, W2, b2r, out_head)
    return out

# --- scband reference (transcript-rebuilt; emitter-appended) ---
"""Pipeline reference for scband-date-model-7413113553485 (READ-ONLY COPY).

The authoritative reference and input builder live on the scoring server;
editing this copy changes nothing except your own understanding.
"""

import jax, jax.numpy as jnp
import numpy as np

FEATURES = ["year", "month", "day", "day_of_week", "hour", "minute"]
BATCH = 16384
NUM_BINS = 50
EMB_DIM = 64
CONCAT_DIM = len(FEATURES) * EMB_DIM  # 384
H1 = 256
H2 = 128


def setup_inputs(seed: int = 0) -> dict:
    key = jax.random.key(seed)
    inp = {}
    for i, f in enumerate(FEATURES):
        inp[f] = jax.random.randint(jax.random.fold_in(key, i), (BATCH,), 0, NUM_BINS, dtype=jnp.int64 if jax.config.jax_enable_x64 else jnp.int32)
    # learned parameters: one embedding table per date feature
    for i, f in enumerate(FEATURES):
        inp["emb_" + f] = jax.random.normal(jax.random.fold_in(key, 100 + i), (NUM_BINS, EMB_DIM), dtype=jnp.float32) * 0.05
    # dense layers: layer_sizes[:-1] = [256, 128]
    inp["W1"] = jax.random.normal(jax.random.fold_in(key, 200), (CONCAT_DIM, H1), dtype=jnp.float32) * (1.0 / np.sqrt(CONCAT_DIM))
    inp["b1"] = jnp.zeros((H1,), dtype=jnp.float32)
    inp["W2"] = jax.random.normal(jax.random.fold_in(key, 201), (H1, H2), dtype=jnp.float32) * (1.0 / np.sqrt(H1))
    inp["b2"] = jnp.zeros((H2,), dtype=jnp.float32)
    return inp


def reference(year, month, day, day_of_week, hour, minute,
              emb_year, emb_month, emb_day, emb_day_of_week, emb_hour, emb_minute,
              W1, b1, W2, b2):
    kw = {
        "year": year, "month": month, "day": day,
        "day_of_week": day_of_week, "hour": hour, "minute": minute,
        "emb_year": emb_year, "emb_month": emb_month, "emb_day": emb_day,
        "emb_day_of_week": emb_day_of_week, "emb_hour": emb_hour, "emb_minute": emb_minute,
        "W1": W1, "b1": b1, "W2": W2, "b2": b2,
    }
    # Hashing(50) is emulated as idx % 50 (inputs are generated in-range, so this is
    # an in-range bucketing; farmhash itself is not reproducible in pure jnp).
    embs = []
    for f in FEATURES:
        idx = kw[f] % NUM_BINS
        table = kw["emb_" + f]
        embs.append(jnp.take(table, idx, axis=0))  # [B, EMB_DIM]
    x = jnp.concatenate(embs, axis=1)  # [B, 384]
    x = jax.nn.leaky_relu(x @ kw["W1"] + kw["b1"], negative_slope=0.2)
    x = jax.nn.leaky_relu(x @ kw["W2"] + kw["b2"], negative_slope=0.2)
    return x

if __name__ == "__main__":
    import jax
    _d = setup_inputs()
    print(jax.jit(kernel)(*tuple(_d.values())))

</pallas_src>

<mosaic_0001>
#map = affine_map<(d0, d1) -> (0, 0)>
#map1 = affine_map<(d0, d1) -> (0)>
module attributes {stable_mosaic.version = 14 : i64} {
  func.func @_sc_gather(%arg0: i32, %arg1: i32, %arg2: memref<300x64xbf16, #tpu.memory_space<hbm>>, %arg3: memref<12288xi32, #tpu.memory_space<hbm>>, %arg4: memref<12288x64xbf16, #tpu.memory_space<hbm>>, %arg5: memref<768xi32, #tpu.memory_space<vmem>>, %arg6: memref<2x384x64xbf16, #tpu.memory_space<vmem>>, %arg7: memref<!tpu.dma_semaphore, #tpu.memory_space<semaphore_mem>>, %arg8: memref<!tpu.dma_semaphore, #tpu.memory_space<semaphore_mem>>) attributes {dimension_semantics = [#tpu.dimension_semantics<core_parallel>, #tpu.dimension_semantics<subcore_parallel>], iteration_bounds = array<i64: 1, 16>, scalar_prefetch = 0 : i64, scratch_operands = 4 : i64, tpu.core_type = #tpu.core_type<sc_vector_subcore>, window_params = [{transform_indices = #map}, {transform_indices = #map1}, {transform_indices = #map}]} {
    %mul3A = arith.constant 16 : i32
    %mul3A_0 = arith.muli %arg0, %mul3A : i32
    %add3A = arith.addi %arg1, %mul3A_0 : i32
    %mul3A_1 = arith.constant 768 : i32
    %mul3A_2 = arith.muli %add3A, %mul3A_1 : i32
    %iota3A = tpu.iota {dimensions = array<i32: 0>} : vector<16xi32>
    "tpu.region"() ({
      %run_scoped3A = tpu.sem_alloc : memref<!tpu.dma_semaphore, #tpu.memory_space<semaphore_mem>>
      %dma_start3A_101 = tpu.memref_slice %arg3[%mul3A_2] : memref<12288xi32, #tpu.memory_space<hbm>> -> memref<768xi32, #tpu.memory_space<hbm>>
      %dma_start3A_102 = tpu.memref_slice %arg3[%mul3A_2] : memref<12288xi32, #tpu.memory_space<hbm>> -> memref<768xi32, #tpu.memory_space<hbm>>
      tpu.enqueue_dma source(%dma_start3A_102 : memref<768xi32, #tpu.memory_space<hbm>>) target(%arg5 : memref<768xi32, #tpu.memory_space<vmem>>) target_semaphore(%run_scoped3A : memref<!tpu.dma_semaphore, #tpu.memory_space<semaphore_mem>>)
      %dma_wait3A_103 = tpu.memref_slice %arg3[%mul3A_2] : memref<12288xi32, #tpu.memory_space<hbm>> -> memref<768xi32, #tpu.memory_space<hbm>>
      %dma_wait3A_104 = tpu.memref_slice %arg3[%mul3A_2] : memref<12288xi32, #tpu.memory_space<hbm>> -> memref<768xi32, #tpu.memory_space<hbm>>
      tpu.wait_dma2 semaphore(%run_scoped3A : memref<!tpu.dma_semaphore, #tpu.memory_space<semaphore_mem>>) src(%dma_wait3A_104 : memref<768xi32, #tpu.memory_space<hbm>>) dst(%arg5 : memref<768xi32, #tpu.memory_space<vmem>>)
      tpu.yield
    }) : () -> ()
    %scan3A = arith.constant 0 : i32
    %scan3A_3 = arith.constant 0 : i32
    %scan3A_4 = arith.constant 48 : i32
    %scan3A_5 = arith.addi %scan3A_3, %scan3A_4 : i32
    %scan3A_6 = arith.constant 1 : i32
    %scan3A_7 = scf.for %scan3A_101 = %scan3A_3 to %scan3A_5 step %scan3A_6 iter_args(%scan3A_102 = %scan3A) -> (i32)  : i32 {
      %mul3A_103 = arith.constant 16 : i32
      %mul3A_104 = arith.muli %scan3A_101, %mul3A_103 : i32
      %get3A = arith.index_cast %mul3A_104 : i32 to index
      %get3A_105 = tpu.vector_load %arg5[%get3A] {strides = array<i32>} : memref<768xi32, #tpu.memory_space<vmem>>, vector<16xi32>,
      %get3A_106 = vector.shape_cast %get3A_105 : vector<16xi32> to vector<16xi32>
      %mul3A_107 = arith.constant 16 : i32
      %mul3A_108 = arith.muli %scan3A_101, %mul3A_107 : i32
      %add3A_109 = vector.broadcast %mul3A_108 : i32 to vector<16xi32>
      %add3A_110 = arith.addi %add3A_109, %iota3A : vector<16xi32>
      %rem3A = arith.constant 6 : i32
      %rem3A_111 = vector.broadcast %rem3A : i32 to vector<16xi32>
      %rem3A_112 = arith.remsi %add3A_110, %rem3A_111 : vector<16xi32>
      %rem3A_113 = arith.constant 50 : i32
      %rem3A_114 = vector.broadcast %rem3A_113 : i32 to vector<16xi32>
      %rem3A_115 = arith.remsi %get3A_106, %rem3A_114 : vector<16xi32>
      %mul3A_116 = arith.constant 50 : i32
      %mul3A_117 = vector.broadcast %mul3A_116 : i32 to vector<16xi32>
      %mul3A_118 = arith.muli %mul3A_117, %rem3A_112 : vector<16xi32>
      %add3A_119 = arith.addi %rem3A_115, %mul3A_118 : vector<16xi32>
      %mul3A_120 = arith.constant 16 : i32
      %mul3A_121 = arith.muli %scan3A_101, %mul3A_120 : i32
      %swap3A = arith.index_cast %mul3A_121 : i32 to index
      %swap3A_122 = tpu.vector_load %arg5[%swap3A] {strides = array<i32>} : memref<768xi32, #tpu.memory_space<vmem>>, vector<16xi32>,
      %swap3A_123 = vector.shape_cast %swap3A_122 : vector<16xi32> to vector<16xi32>
      %swap3A_124 = vector.shape_cast %add3A_119 : vector<16xi32> to vector<16xi32>
      tpu.vector_store %arg5[%swap3A], %swap3A_124 {strides = array<i32>} : memref<768xi32, #tpu.memory_space<vmem>>, vector<16xi32>,
      %scan3A_125 = arith.constant 0 : i32
      scf.yield %scan3A_125 : i32
    }
    %scan3A_8 = arith.constant 48 : i32
    %dma_start3A = arith.constant 0 : i32
    %dma_start3A_9 = arith.constant 0 : i32
    %dma_start3A_10 = arith.constant 0 : i32
    %dma_start3A_11 = tpu.memref_slice %arg6[%dma_start3A, %dma_start3A_9, %dma_start3A_10] : memref<2x384x64xbf16, #tpu.memory_space<vmem>> -> memref<1x384x64xbf16, #tpu.memory_space<vmem>>
    %dma_start3A_12 = tpu.memref_squeeze %dma_start3A_11 : memref<1x384x64xbf16, #tpu.memory_space<vmem>> -> memref<384x64xbf16, #tpu.memory_space<vmem>>
    %dma_start3A_13 = arith.constant 0 : i32
    %dma_start3A_14 = tpu.memref_slice %arg5[%dma_start3A_13] : memref<768xi32, #tpu.memory_space<vmem>> -> memref<384xi32, #tpu.memory_space<vmem>>
    %dma_start3A_15 = arith.constant 0 : i32
    %dma_start3A_16 = arith.constant 0 : i32
    %dma_start3A_17 = tpu.memref_slice %arg2[%dma_start3A_15, %dma_start3A_16] : memref<300x64xbf16, #tpu.memory_space<hbm>> -> memref<300x64xbf16, #tpu.memory_space<hbm>>
    tpu.enqueue_indirect_dma source(%dma_start3A_17 : memref<300x64xbf16, #tpu.memory_space<hbm>>) target(%dma_start3A_12 : memref<384x64xbf16, #tpu.memory_space<vmem>>) offsets(%dma_start3A_14 : memref<384xi32, #tpu.memory_space<vmem>>) semaphore(%arg7 : memref<!tpu.dma_semaphore, #tpu.memory_space<semaphore_mem>>)
    %dma_start3A_18 = arith.constant 1 : i32
    %dma_start3A_19 = arith.constant 0 : i32
    %dma_start3A_20 = arith.constant 0 : i32
    %dma_start3A_21 = tpu.memref_slice %arg6[%dma_start3A_18, %dma_start3A_19, %dma_start3A_20] : memref<2x384x64xbf16, #tpu.memory_space<vmem>> -> memref<1x384x64xbf16, #tpu.memory_space<vmem>>
    %dma_start3A_22 = tpu.memref_squeeze %dma_start3A_21 : memref<1x384x64xbf16, #tpu.memory_space<vmem>> -> memref<384x64xbf16, #tpu.memory_space<vmem>>
    %dma_start3A_23 = arith.constant 384 : i32
    %dma_start3A_24 = tpu.memref_slice %arg5[%dma_start3A_23] : memref<768xi32, #tpu.memory_space<vmem>> -> memref<384xi32, #tpu.memory_space<vmem>>
    %dma_start3A_25 = arith.constant 0 : i32
    %dma_start3A_26 = arith.constant 0 : i32
    %dma_start3A_27 = tpu.memref_slice %arg2[%dma_start3A_25, %dma_start3A_26] : memref<300x64xbf16, #tpu.memory_space<hbm>> -> memref<300x64xbf16, #tpu.memory_space<hbm>>
    tpu.enqueue_indirect_dma source(%dma_start3A_27 : memref<300x64xbf16, #tpu.memory_space<hbm>>) target(%dma_start3A_22 : memref<384x64xbf16, #tpu.memory_space<vmem>>) offsets(%dma_start3A_24 : memref<384xi32, #tpu.memory_space<vmem>>) semaphore(%arg7 : memref<!tpu.dma_semaphore, #tpu.memory_space<semaphore_mem>>)
    %dma_wait3A = arith.constant 0 : i32
    %dma_wait3A_28 = arith.constant 0 : i32
    %dma_wait3A_29 = arith.constant 0 : i32
    %dma_wait3A_30 = tpu.memref_slice %arg6[%dma_wait3A, %dma_wait3A_28, %dma_wait3A_29] : memref<2x384x64xbf16, #tpu.memory_space<vmem>> -> memref<1x384x64xbf16, #tpu.memory_space<vmem>>
    %dma_wait3A_31 = tpu.memref_squeeze %dma_wait3A_30 : memref<1x384x64xbf16, #tpu.memory_space<vmem>> -> memref<384x64xbf16, #tpu.memory_space<vmem>>
    %dma_wait3A_32 = arith.constant 0 : i32
    %dma_wait3A_33 = tpu.memref_slice %arg5[%dma_wait3A_32] : memref<768xi32, #tpu.memory_space<vmem>> -> memref<384xi32, #tpu.memory_space<vmem>>
    %dma_wait3A_34 = arith.constant 0 : i32
    %dma_wait3A_35 = arith.constant 0 : i32
    %dma_wait3A_36 = tpu.memref_slice %arg2[%dma_wait3A_34, %dma_wait3A_35] : memref<300x64xbf16, #tpu.memory_space<hbm>> -> memref<300x64xbf16, #tpu.memory_space<hbm>>
    tpu.wait_indirect_dma semaphore(%arg7 : memref<!tpu.dma_semaphore, #tpu.memory_space<semaphore_mem>>) src(%dma_wait3A_36 : memref<300x64xbf16, #tpu.memory_space<hbm>>) dst(%dma_wait3A_31 : memref<384x64xbf16, #tpu.memory_space<vmem>>)
    %dma_start3A_37 = arith.constant 0 : i32
    %dma_start3A_38 = arith.constant 0 : i32
    %dma_start3A_39 = arith.constant 0 : i32
    %dma_start3A_40 = tpu.memref_slice %arg6[%dma_start3A_37, %dma_start3A_38, %dma_start3A_39] : memref<2x384x64xbf16, #tpu.memory_space<vmem>> -> memref<1x384x64xbf16, #tpu.memory_space<vmem>>
    %dma_start3A_41 = tpu.memref_squeeze %dma_start3A_40 : memref<1x384x64xbf16, #tpu.memory_space<vmem>> -> memref<384x64xbf16, #tpu.memory_space<vmem>>
    %dma_start3A_42 = arith.constant 0 : i32
    %dma_start3A_43 = tpu.memref_slice %arg4[%mul3A_2, %dma_start3A_42] : memref<12288x64xbf16, #tpu.memory_space<hbm>> -> memref<384x64xbf16, #tpu.memory_space<hbm>>
    %dma_start3A_44 = arith.constant 0 : i32
    %dma_start3A_45 = tpu.memref_slice %arg4[%mul3A_2, %dma_start3A_44] : memref<12288x64xbf16, #tpu.memory_space<hbm>> -> memref<384x64xbf16, #tpu.memory_space<hbm>>
    %dma_start3A_46 = arith.constant 0 : i32
    %dma_start3A_47 = arith.constant 0 : i32
    %dma_start3A_48 = tpu.memref_slice %arg6[%dma_start3A_37, %dma_start3A_46, %dma_start3A_47] : memref<2x384x64xbf16, #tpu.memory_space<vmem>> -> memref<1x384x64xbf16, #tpu.memory_space<vmem>>
    %dma_start3A_49 = tpu.memref_squeeze %dma_start3A_48 : memref<1x384x64xbf16, #tpu.memory_space<vmem>> -> memref<384x64xbf16, #tpu.memory_space<vmem>>
    tpu.enqueue_dma source(%dma_start3A_49 : memref<384x64xbf16, #tpu.memory_space<vmem>>) target(%dma_start3A_45 : memref<384x64xbf16, #tpu.memory_space<hbm>>) target_semaphore(%arg8 : memref<!tpu.dma_semaphore, #tpu.memory_space<semaphore_mem>>)
    %dma_wait3A_50 = arith.constant 1 : i32
    %dma_wait3A_51 = arith.constant 0 : i32
    %dma_wait3A_52 = arith.constant 0 : i32
    %dma_wait3A_53 = tpu.memref_slice %arg6[%dma_wait3A_50, %dma_wait3A_51, %dma_wait3A_52] : memref<2x384x64xbf16, #tpu.memory_space<vmem>> -> memref<1x384x64xbf16, #tpu.memory_space<vmem>>
    %dma_wait3A_54 = tpu.memref_squeeze %dma_wait3A_53 : memref<1x384x64xbf16, #tpu.memory_space<vmem>> -> memref<384x64xbf16, #tpu.memory_space<vmem>>
    %dma_wait3A_55 = arith.constant 384 : i32
    %dma_wait3A_56 = tpu.memref_slice %arg5[%dma_wait3A_55] : memref<768xi32, #tpu.memory_space<vmem>> -> memref<384xi32, #tpu.memory_space<vmem>>
    %dma_wait3A_57 = arith.constant 0 : i32
    %dma_wait3A_58 = arith.constant 0 : i32
    %dma_wait3A_59 = tpu.memref_slice %arg2[%dma_wait3A_57, %dma_wait3A_58] : memref<300x64xbf16, #tpu.memory_space<hbm>> -> memref<300x64xbf16, #tpu.memory_space<hbm>>
    tpu.wait_indirect_dma semaphore(%arg7 : memref<!tpu.dma_semaphore, #tpu.memory_space<semaphore_mem>>) src(%dma_wait3A_59 : memref<300x64xbf16, #tpu.memory_space<hbm>>) dst(%dma_wait3A_54 : memref<384x64xbf16, #tpu.memory_space<vmem>>)
    %add3A_60 = arith.constant 384 : i32
    %add3A_61 = arith.addi %mul3A_2, %add3A_60 : i32
    %dma_start3A_62 = arith.constant 1 : i32
    %dma_start3A_63 = arith.constant 0 : i32
    %dma_start3A_64 = arith.constant 0 : i32
    %dma_start3A_65 = tpu.memref_slice %arg6[%dma_start3A_62, %dma_start3A_63, %dma_start3A_64] : memref<2x384x64xbf16, #tpu.memory_space<vmem>> -> memref<1x384x64xbf16, #tpu.memory_space<vmem>>
    %dma_start3A_66 = tpu.memref_squeeze %dma_start3A_65 : memref<1x384x64xbf16, #tpu.memory_space<vmem>> -> memref<384x64xbf16, #tpu.memory_space<vmem>>
    %dma_start3A_67 = arith.constant 0 : i32
    %dma_start3A_68 = tpu.memref_slice %arg4[%add3A_61, %dma_start3A_67] : memref<12288x64xbf16, #tpu.memory_space<hbm>> -> memref<384x64xbf16, #tpu.memory_space<hbm>>
    %dma_start3A_69 = arith.constant 0 : i32
    %dma_start3A_70 = tpu.memref_slice %arg4[%add3A_61, %dma_start3A_69] : memref<12288x64xbf16, #tpu.memory_space<hbm>> -> memref<384x64xbf16, #tpu.memory_space<hbm>>
    %dma_start3A_71 = arith.constant 0 : i32
    %dma_start3A_72 = arith.constant 0 : i32
    %dma_start3A_73 = tpu.memref_slice %arg6[%dma_start3A_62, %dma_start3A_71, %dma_start3A_72] : memref<2x384x64xbf16, #tpu.memory_space<vmem>> -> memref<1x384x64xbf16, #tpu.memory_space<vmem>>
    %dma_start3A_74 = tpu.memref_squeeze %dma_start3A_73 : memref<1x384x64xbf16, #tpu.memory_space<vmem>> -> memref<384x64xbf16, #tpu.memory_space<vmem>>
    tpu.enqueue_dma source(%dma_start3A_74 : memref<384x64xbf16, #tpu.memory_space<vmem>>) target(%dma_start3A_70 : memref<384x64xbf16, #tpu.memory_space<hbm>>) target_semaphore(%arg8 : memref<!tpu.dma_semaphore, #tpu.memory_space<semaphore_mem>>)
    %dma_wait3A_75 = arith.constant 0 : i32
    %dma_wait3A_76 = arith.constant 0 : i32
    %dma_wait3A_77 = arith.constant 0 : i32
    %dma_wait3A_78 = tpu.memref_slice %arg6[%dma_wait3A_75, %dma_wait3A_76, %dma_wait3A_77] : memref<2x384x64xbf16, #tpu.memory_space<vmem>> -> memref<1x384x64xbf16, #tpu.memory_space<vmem>>
    %dma_wait3A_79 = tpu.memref_squeeze %dma_wait3A_78 : memref<1x384x64xbf16, #tpu.memory_space<vmem>> -> memref<384x64xbf16, #tpu.memory_space<vmem>>
    %dma_wait3A_80 = arith.constant 0 : i32
    %dma_wait3A_81 = tpu.memref_slice %arg4[%mul3A_2, %dma_wait3A_80] : memref<12288x64xbf16, #tpu.memory_space<hbm>> -> memref<384x64xbf16, #tpu.memory_space<hbm>>
    %dma_wait3A_82 = arith.constant 0 : i32
    %dma_wait3A_83 = tpu.memref_slice %arg4[%mul3A_2, %dma_wait3A_82] : memref<12288x64xbf16, #tpu.memory_space<hbm>> -> memref<384x64xbf16, #tpu.memory_space<hbm>>
    %dma_wait3A_84 = arith.constant 0 : i32
    %dma_wait3A_85 = arith.constant 0 : i32
    %dma_wait3A_86 = tpu.memref_slice %arg6[%dma_wait3A_75, %dma_wait3A_84, %dma_wait3A_85] : memref<2x384x64xbf16, #tpu.memory_space<vmem>> -> memref<1x384x64xbf16, #tpu.memory_space<vmem>>
    %dma_wait3A_87 = tpu.memref_squeeze %dma_wait3A_86 : memref<1x384x64xbf16, #tpu.memory_space<vmem>> -> memref<384x64xbf16, #tpu.memory_space<vmem>>
    tpu.wait_dma2 semaphore(%arg8 : memref<!tpu.dma_semaphore, #tpu.memory_space<semaphore_mem>>) src(%dma_wait3A_87 : memref<384x64xbf16, #tpu.memory_space<vmem>>) dst(%dma_wait3A_83 : memref<384x64xbf16, #tpu.memory_space<hbm>>)
    %dma_wait3A_88 = arith.constant 1 : i32
    %dma_wait3A_89 = arith.constant 0 : i32
    %dma_wait3A_90 = arith.constant 0 : i32
    %dma_wait3A_91 = tpu.memref_slice %arg6[%dma_wait3A_88, %dma_wait3A_89, %dma_wait3A_90] : memref<2x384x64xbf16, #tpu.memory_space<vmem>> -> memref<1x384x64xbf16, #tpu.memory_space<vmem>>
    %dma_wait3A_92 = tpu.memref_squeeze %dma_wait3A_91 : memref<1x384x64xbf16, #tpu.memory_space<vmem>> -> memref<384x64xbf16, #tpu.memory_space<vmem>>
    %dma_wait3A_93 = arith.constant 0 : i32
    %dma_wait3A_94 = tpu.memref_slice %arg4[%add3A_61, %dma_wait3A_93] : memref<12288x64xbf16, #tpu.memory_space<hbm>> -> memref<384x64xbf16, #tpu.memory_space<hbm>>
    %dma_wait3A_95 = arith.constant 0 : i32
    %dma_wait3A_96 = tpu.memref_slice %arg4[%add3A_61, %dma_wait3A_95] : memref<12288x64xbf16, #tpu.memory_space<hbm>> -> memref<384x64xbf16, #tpu.memory_space<hbm>>
    %dma_wait3A_97 = arith.constant 0 : i32
    %dma_wait3A_98 = arith.constant 0 : i32
    %dma_wait3A_99 = tpu.memref_slice %arg6[%dma_wait3A_88, %dma_wait3A_97, %dma_wait3A_98] : memref<2x384x64xbf16, #tpu.memory_space<vmem>> -> memref<1x384x64xbf16, #tpu.memory_space<vmem>>
    %dma_wait3A_100 = tpu.memref_squeeze %dma_wait3A_99 : memref<1x384x64xbf16, #tpu.memory_space<vmem>> -> memref<384x64xbf16, #tpu.memory_space<vmem>>
    tpu.wait_dma2 semaphore(%arg8 : memref<!tpu.dma_semaphore, #tpu.memory_space<semaphore_mem>>) src(%dma_wait3A_100 : memref<384x64xbf16, #tpu.memory_space<vmem>>) dst(%dma_wait3A_96 : memref<384x64xbf16, #tpu.memory_space<hbm>>)
    return
  }
}

module attributes {stable_mosaic.version = 14 : i64} {
  func.func @_mlp_kernel(%arg0: i32, %arg1: memref<1x6x512xi32, #tpu.memory_space<vmem>>, %arg2: memref<6x50x64xf32, #tpu.memory_space<vmem>>, %arg3: memref<384x256xf32, #tpu.memory_space<vmem>>, %arg4: memref<1x256xf32, #tpu.memory_space<vmem>>, %arg5: memref<256x128xf32, #tpu.memory_space<vmem>>, %arg6: memref<1x128xf32, #tpu.memory_space<vmem>>, %arg7: memref<512x128xf32, #tpu.memory_space<vmem>>, %arg8: memref<6x50x256xf32, #tpu.memory_space<vmem>>) attributes {dimension_semantics = [#tpu.dimension_semantics<arbitrary>], iteration_bounds = array<i64: 28>, scalar_prefetch = 0 : i64, scratch_operands = 1 : i64, tpu.core_type = #tpu.core_type<tc>, window_params = [{transform_indices = @transform_0, window_bounds = array<i64: 1, 6, 512>}, {pipeline_mode = #tpu.pipeline_mode<synchronous>, transform_indices = @transform_1, window_bounds = array<i64: 6, 50, 64>}, {pipeline_mode = #tpu.pipeline_mode<synchronous>, transform_indices = @transform_2, window_bounds = array<i64: 384, 256>}, {pipeline_mode = #tpu.pipeline_mode<synchronous>, transform_indices = @transform_3, window_bounds = array<i64: 1, 256>}, {pipeline_mode = #tpu.pipeline_mode<synchronous>, transform_indices = @transform_4, window_bounds = array<i64: 256, 128>}, {pipeline_mode = #tpu.pipeline_mode<synchronous>, transform_indices = @transform_5, window_bounds = array<i64: 1, 128>}, {transform_indices = @transform_6, window_bounds = array<i64: 512, 128>}]} {
    %eq3A = arith.constant 0 : i32
    %eq3A_0 = arith.cmpi eq, %arg0, %eq3A : i32
    %convert_element_type3A = arith.extui %eq3A_0 : i1 to i32
    %cond3A = arith.constant 0 : i32
    %cond3A_1 = arith.cmpi ne, %convert_element_type3A, %cond3A : i32
    scf.if %cond3A_1 {
      %get3A_125 = arith.constant 0 : index
      %get3A_126 = arith.constant 0 : index
      %get3A_127 = arith.constant 0 : index
      %get3A_128 = vector.load %arg2[%get3A_125, %get3A_126, %get3A_127] : memref<6x50x64xf32, #tpu.memory_space<vmem>>, vector<1x50x64xf32>
      %get3A_129 = vector.shape_cast %get3A_128 : vector<1x50x64xf32> to vector<50x64xf32>
      %get3A_130 = arith.constant 0 : index
      %get3A_131 = arith.constant 0 : index
      %get3A_132 = vector.load %arg3[%get3A_130, %get3A_131] : memref<384x256xf32, #tpu.memory_space<vmem>>, vector<64x256xf32>
      %dot_general3A_133 = arith.constant dense<0.000000e+00> : vector<50x256xf32>
      %dot_general3A_134 = tpu.matmul %get3A_129, %get3A_132, %dot_general3A_133 {dimension_numbers = #tpu.dot_dimension_numbers<[1], [0], [0], [1], [0, 0, 1, 1], [], []>, transpose_lhs_hint = false} : vector<50x64xf32>, vector<64x256xf32>, vector<50x256xf32> -> vector<50x256xf32>
      %swap3A_135 = arith.constant 0 : index
      %swap3A_136 = arith.constant 0 : index
      %swap3A_137 = arith.constant 0 : index
      %swap3A_138 = vector.load %arg8[%swap3A_135, %swap3A_136, %swap3A_137] : memref<6x50x256xf32, #tpu.memory_space<vmem>>, vector<1x50x256xf32>
      %swap3A_139 = vector.shape_cast %swap3A_138 : vector<1x50x256xf32> to vector<50x256xf32>
      %swap3A_140 = vector.shape_cast %dot_general3A_134 : vector<50x256xf32> to vector<1x50x256xf32>
      tpu.vector_store %arg8[%swap3A_135, %swap3A_136, %swap3A_137], %swap3A_140 {strides = array<i32>} : memref<6x50x256xf32, #tpu.memory_space<vmem>>, vector<1x50x256xf32>,
      %get3A_141 = arith.constant 1 : index
      %get3A_142 = arith.constant 0 : index
      %get3A_143 = arith.constant 0 : index
      %get3A_144 = vector.load %arg2[%get3A_141, %get3A_142, %get3A_143] : memref<6x50x64xf32, #tpu.memory_space<vmem>>, vector<1x50x64xf32>
      %get3A_145 = vector.shape_cast %get3A_144 : vector<1x50x64xf32> to vector<50x64xf32>
      %get3A_146 = arith.constant 64 : index
      %get3A_147 = arith.constant 0 : index
      %get3A_148 = vector.load %arg3[%get3A_146, %get3A_147] : memref<384x256xf32, #tpu.memory_space<vmem>>, vector<64x256xf32>
      %dot_general3A_149 = arith.constant dense<0.000000e+00> : vector<50x256xf32>
      %dot_general3A_150 = tpu.matmul %get3A_145, %get3A_148, %dot_general3A_149 {dimension_numbers = #tpu.dot_dimension_numbers<[1], [0], [0], [1], [0, 0, 1, 1], [], []>, transpose_lhs_hint = false} : vector<50x64xf32>, vector<64x256xf32>, vector<50x256xf32> -> vector<50x256xf32>
      %swap3A_151 = arith.constant 1 : index
      %swap3A_152 = arith.constant 0 : index
      %swap3A_153 = arith.constant 0 : index
      %swap3A_154 = vector.load %arg8[%swap3A_151, %swap3A_152, %swap3A_153] : memref<6x50x256xf32, #tpu.memory_space<vmem>>, vector<1x50x256xf32>
      %swap3A_155 = vector.shape_cast %swap3A_154 : vector<1x50x256xf32> to vector<50x256xf32>
      %swap3A_156 = vector.shape_cast %dot_general3A_150 : vector<50x256xf32> to vector<1x50x256xf32>
      tpu.vector_store %arg8[%swap3A_151, %swap3A_152, %swap3A_153], %swap3A_156 {strides = array<i32>} : memref<6x50x256xf32, #tpu.memory_space<vmem>>, vector<1x50x256xf32>,
      %get3A_157 = arith.constant 2 : index
      %get3A_158 = arith.constant 0 : index
      %get3A_159 = arith.constant 0 : index
      %get3A_160 = vector.load %arg2[%get3A_157, %get3A_158, %get3A_159] : memref<6x50x64xf32, #tpu.memory_space<vmem>>, vector<1x50x64xf32>
      %get3A_161 = vector.shape_cast %get3A_160 : vector<1x50x64xf32> to vector<50x64xf32>
      %get3A_162 = arith.constant 128 : index
      %get3A_163 = arith.constant 0 : index
      %get3A_164 = vector.load %arg3[%get3A_162, %get3A_163] : memref<384x256xf32, #tpu.memory_space<vmem>>, vector<64x256xf32>
      %dot_general3A_165 = arith.constant dense<0.000000e+00> : vector<50x256xf32>
      %dot_general3A_166 = tpu.matmul %get3A_161, %get3A_164, %dot_general3A_165 {dimension_numbers = #tpu.dot_dimension_numbers<[1], [0], [0], [1], [0, 0, 1, 1], [], []>, transpose_lhs_hint = false} : vector<50x64xf32>, vector<64x256xf32>, vector<50x256xf32> -> vector<50x256xf32>
      %swap3A_167 = arith.constant 2 : index
      %swap3A_168 = arith.constant 0 : index
      %swap3A_169 = arith.constant 0 : index
      %swap3A_170 = vector.load %arg8[%swap3A_167, %swap3A_168, %swap3A_169] : memref<6x50x256xf32, #tpu.memory_space<vmem>>, vector<1x50x256xf32>
      %swap3A_171 = vector.shape_cast %swap3A_170 : vector<1x50x256xf32> to vector<50x256xf32>
      %swap3A_172 = vector.shape_cast %dot_general3A_166 : vector<50x256xf32> to vector<1x50x256xf32>
      tpu.vector_store %arg8[%swap3A_167, %swap3A_168, %swap3A_169], %swap3A_172 {strides = array<i32>} : memref<6x50x256xf32, #tpu.memory_space<vmem>>, vector<1x50x256xf32>,
      %get3A_173 = arith.constant 3 : index
      %get3A_174 = arith.constant 0 : index
      %get3A_175 = arith.constant 0 : index
      %get3A_176 = vector.load %arg2[%get3A_173, %get3A_174, %get3A_175] : memref<6x50x64xf32, #tpu.memory_space<vmem>>, vector<1x50x64xf32>
      %get3A_177 = vector.shape_cast %get3A_176 : vector<1x50x64xf32> to vector<50x64xf32>
      %get3A_178 = arith.constant 192 : index
      %get3A_179 = arith.constant 0 : index
      %get3A_180 = vector.load %arg3[%get3A_178, %get3A_179] : memref<384x256xf32, #tpu.memory_space<vmem>>, vector<64x256xf32>
      %dot_general3A_181 = arith.constant dense<0.000000e+00> : vector<50x256xf32>
      %dot_general3A_182 = tpu.matmul %get3A_177, %get3A_180, %dot_general3A_181 {dimension_numbers = #tpu.dot_dimension_numbers<[1], [0], [0], [1], [0, 0, 1, 1], [], []>, transpose_lhs_hint = false} : vector<50x64xf32>, vector<64x256xf32>, vector<50x256xf32> -> vector<50x256xf32>
      %swap3A_183 = arith.constant 3 : index
      %swap3A_184 = arith.constant 0 : index
      %swap3A_185 = arith.constant 0 : index
      %swap3A_186 = vector.load %arg8[%swap3A_183, %swap3A_184, %swap3A_185] : memref<6x50x256xf32, #tpu.memory_space<vmem>>, vector<1x50x256xf32>
      %swap3A_187 = vector.shape_cast %swap3A_186 : vector<1x50x256xf32> to vector<50x256xf32>
      %swap3A_188 = vector.shape_cast %dot_general3A_182 : vector<50x256xf32> to vector<1x50x256xf32>
      tpu.vector_store %arg8[%swap3A_183, %swap3A_184, %swap3A_185], %swap3A_188 {strides = array<i32>} : memref<6x50x256xf32, #tpu.memory_space<vmem>>, vector<1x50x256xf32>,
      %get3A_189 = arith.constant 4 : index
      %get3A_190 = arith.constant 0 : index
      %get3A_191 = arith.constant 0 : index
      %get3A_192 = vector.load %arg2[%get3A_189, %get3A_190, %get3A_191] : memref<6x50x64xf32, #tpu.memory_space<vmem>>, vector<1x50x64xf32>
      %get3A_193 = vector.shape_cast %get3A_192 : vector<1x50x64xf32> to vector<50x64xf32>
      %get3A_194 = arith.constant 256 : index
      %get3A_195 = arith.constant 0 : index
      %get3A_196 = vector.load %arg3[%get3A_194, %get3A_195] : memref<384x256xf32, #tpu.memory_space<vmem>>, vector<64x256xf32>
      %dot_general3A_197 = arith.constant dense<0.000000e+00> : vector<50x256xf32>
      %dot_general3A_198 = tpu.matmul %get3A_193, %get3A_196, %dot_general3A_197 {dimension_numbers = #tpu.dot_dimension_numbers<[1], [0], [0], [1], [0, 0, 1, 1], [], []>, transpose_lhs_hint = false} : vector<50x64xf32>, vector<64x256xf32>, vector<50x256xf32> -> vector<50x256xf32>
      %swap3A_199 = arith.constant 4 : index
      %swap3A_200 = arith.constant 0 : index
      %swap3A_201 = arith.constant 0 : index
      %swap3A_202 = vector.load %arg8[%swap3A_199, %swap3A_200, %swap3A_201] : memref<6x50x256xf32, #tpu.memory_space<vmem>>, vector<1x50x256xf32>
      %swap3A_203 = vector.shape_cast %swap3A_202 : vector<1x50x256xf32> to vector<50x256xf32>
      %swap3A_204 = vector.shape_cast %dot_general3A_198 : vector<50x256xf32> to vector<1x50x256xf32>
      tpu.vector_store %arg8[%swap3A_199, %swap3A_200, %swap3A_201], %swap3A_204 {strides = array<i32>} : memref<6x50x256xf32, #tpu.memory_space<vmem>>, vector<1x50x256xf32>,
      %get3A_205 = arith.constant 5 : index
      %get3A_206 = arith.constant 0 : index
      %get3A_207 = arith.constant 0 : index
      %get3A_208 = vector.load %arg2[%get3A_205, %get3A_206, %get3A_207] : memref<6x50x64xf32, #tpu.memory_space<vmem>>, vector<1x50x64xf32>
      %get3A_209 = vector.shape_cast %get3A_208 : vector<1x50x64xf32> to vector<50x64xf32>
      %get3A_210 = arith.constant 320 : index
      %get3A_211 = arith.constant 0 : index
      %get3A_212 = vector.load %arg3[%get3A_210, %get3A_211] : memref<384x256xf32, #tpu.memory_space<vmem>>, vector<64x256xf32>
      %dot_general3A_213 = arith.constant dense<0.000000e+00> : vector<50x256xf32>
      %dot_general3A_214 = tpu.matmul %get3A_209, %get3A_212, %dot_general3A_213 {dimension_numbers = #tpu.dot_dimension_numbers<[1], [0], [0], [1], [0, 0, 1, 1], [], []>, transpose_lhs_hint = false} : vector<50x64xf32>, vector<64x256xf32>, vector<50x256xf32> -> vector<50x256xf32>
      %swap3A_215 = arith.constant 5 : index
      %swap3A_216 = arith.constant 0 : index
      %swap3A_217 = arith.constant 0 : index
      %swap3A_218 = vector.load %arg8[%swap3A_215, %swap3A_216, %swap3A_217] : memref<6x50x256xf32, #tpu.memory_space<vmem>>, vector<1x50x256xf32>
      %swap3A_219 = vector.shape_cast %swap3A_218 : vector<1x50x256xf32> to vector<50x256xf32>
      %swap3A_220 = vector.shape_cast %dot_general3A_214 : vector<50x256xf32> to vector<1x50x256xf32>
      tpu.vector_store %arg8[%swap3A_215, %swap3A_216, %swap3A_217], %swap3A_220 {strides = array<i32>} : memref<6x50x256xf32, #tpu.memory_space<vmem>>, vector<1x50x256xf32>,
    } else {
    }
    %get3A = arith.constant 0 : index
    %get3A_2 = arith.constant 0 : index
    %get3A_3 = arith.constant 0 : index
    %get3A_4 = vector.load %arg1[%get3A, %get3A_2, %get3A_3] : memref<1x6x512xi32, #tpu.memory_space<vmem>>, vector<1x6x512xi32>
    %get3A_5 = vector.shape_cast %get3A_4 : vector<1x6x512xi32> to vector<6x512xi32>
    %rem3A = arith.constant 50 : i32
    %rem3A_6 = vector.broadcast %rem3A : i32 to vector<6x512xi32>
    %rem3A_7 = arith.remsi %get3A_5, %rem3A_6 : vector<6x512xi32>
    %slice3A = vector.extract_strided_slice %rem3A_7 {offsets = [0, 0], sizes = [1, 512], strides = [1, 1]} : vector<6x512xi32> to vector<1x512xi32>
    %squeeze3A = vector.shape_cast %slice3A : vector<1x512xi32> to vector<512xi32>
    %iota3A = tpu.iota {dimensions = array<i32: 0>} : vector<50x512xi32>
    %broadcast_in_dim3A = vector.shape_cast %squeeze3A : vector<512xi32> to vector<1x512xi32>
    %eq3A_8 = vector.broadcast %broadcast_in_dim3A : vector<1x512xi32> to vector<50x512xi32>
    %eq3A_9 = arith.cmpi eq, %eq3A_8, %iota3A : vector<50x512xi32>
    %convert_element_type3A_10 = arith.extui %eq3A_9 : vector<50x512xi1> to vector<50x512xi32>
    %convert_element_type3A_11 = arith.sitofp %convert_element_type3A_10 : vector<50x512xi32> to vector<50x512xf32>
    %get3A_12 = arith.constant 0 : index
    %get3A_13 = arith.constant 0 : index
    %get3A_14 = arith.constant 0 : index
    %get3A_15 = vector.load %arg8[%get3A_12, %get3A_13, %get3A_14] : memref<6x50x256xf32, #tpu.memory_space<vmem>>, vector<1x50x256xf32>
    %get3A_16 = vector.shape_cast %get3A_15 : vector<1x50x256xf32> to vector<50x256xf32>
    %dot_general3A = arith.constant dense<0.000000e+00> : vector<512x256xf32>
    %dot_general3A_17 = tpu.matmul %convert_element_type3A_11, %get3A_16, %dot_general3A {dimension_numbers = #tpu.dot_dimension_numbers<[0], [0], [1], [1], [0, 1, 1, 1], [], []>, transpose_lhs_hint = false} : vector<50x512xf32>, vector<50x256xf32>, vector<512x256xf32> -> vector<512x256xf32>
    %slice3A_18 = vector.extract_strided_slice %rem3A_7 {offsets = [1, 0], sizes = [1, 512], strides = [1, 1]} : vector<6x512xi32> to vector<1x512xi32>
    %squeeze3A_19 = vector.shape_cast %slice3A_18 : vector<1x512xi32> to vector<512xi32>
    %iota3A_20 = tpu.iota {dimensions = array<i32: 0>} : vector<50x512xi32>
    %broadcast_in_dim3A_21 = vector.shape_cast %squeeze3A_19 : vector<512xi32> to vector<1x512xi32>
    %eq3A_22 = vector.broadcast %broadcast_in_dim3A_21 : vector<1x512xi32> to vector<50x512xi32>
    %eq3A_23 = arith.cmpi eq, %eq3A_22, %iota3A_20 : vector<50x512xi32>
    %convert_element_type3A_24 = arith.extui %eq3A_23 : vector<50x512xi1> to vector<50x512xi32>
    %convert_element_type3A_25 = arith.sitofp %convert_element_type3A_24 : vector<50x512xi32> to vector<50x512xf32>
    %get3A_26 = arith.constant 1 : index
    %get3A_27 = arith.constant 0 : index
    %get3A_28 = arith.constant 0 : index
    %get3A_29 = vector.load %arg8[%get3A_26, %get3A_27, %get3A_28] : memref<6x50x256xf32, #tpu.memory_space<vmem>>, vector<1x50x256xf32>
    %get3A_30 = vector.shape_cast %get3A_29 : vector<1x50x256xf32> to vector<50x256xf32>
    %dot_general3A_31 = arith.constant dense<0.000000e+00> : vector<512x256xf32>
    %dot_general3A_32 = tpu.matmul %convert_element_type3A_25, %get3A_30, %dot_general3A_31 {dimension_numbers = #tpu.dot_dimension_numbers<[0], [0], [1], [1], [0, 1, 1, 1], [], []>, transpose_lhs_hint = false} : vector<50x512xf32>, vector<50x256xf32>, vector<512x256xf32> -> vector<512x256xf32>
    %add3A = arith.addf %dot_general3A_17, %dot_general3A_32 : vector<512x256xf32>
    %slice3A_33 = vector.extract_strided_slice %rem3A_7 {offsets = [2, 0], sizes = [1, 512], strides = [1, 1]} : vector<6x512xi32> to vector<1x512xi32>
    %squeeze3A_34 = vector.shape_cast %slice3A_33 : vector<1x512xi32> to vector<512xi32>
    %iota3A_35 = tpu.iota {dimensions = array<i32: 0>} : vector<50x512xi32>
    %broadcast_in_dim3A_36 = vector.shape_cast %squeeze3A_34 : vector<512xi32> to vector<1x512xi32>
    %eq3A_37 = vector.broadcast %broadcast_in_dim3A_36 : vector<1x512xi32> to vector<50x512xi32>
    %eq3A_38 = arith.cmpi eq, %eq3A_37, %iota3A_35 : vector<50x512xi32>
    %convert_element_type3A_39 = arith.extui %eq3A_38 : vector<50x512xi1> to vector<50x512xi32>
    %convert_element_type3A_40 = arith.sitofp %convert_element_type3A_39 : vector<50x512xi32> to vector<50x512xf32>
    %get3A_41 = arith.constant 2 : index
    %get3A_42 = arith.constant 0 : index
    %get3A_43 = arith.constant 0 : index
    %get3A_44 = vector.load %arg8[%get3A_41, %get3A_42, %get3A_43] : memref<6x50x256xf32, #tpu.memory_space<vmem>>, vector<1x50x256xf32>
    %get3A_45 = vector.shape_cast %get3A_44 : vector<1x50x256xf32> to vector<50x256xf32>
    %dot_general3A_46 = arith.constant dense<0.000000e+00> : vector<512x256xf32>
    %dot_general3A_47 = tpu.matmul %convert_element_type3A_40, %get3A_45, %dot_general3A_46 {dimension_numbers = #tpu.dot_dimension_numbers<[0], [0], [1], [1], [0, 1, 1, 1], [], []>, transpose_lhs_hint = false} : vector<50x512xf32>, vector<50x256xf32>, vector<512x256xf32> -> vector<512x256xf32>
    %add3A_48 = arith.addf %add3A, %dot_general3A_47 : vector<512x256xf32>
    %slice3A_49 = vector.extract_strided_slice %rem3A_7 {offsets = [3, 0], sizes = [1, 512], strides = [1, 1]} : vector<6x512xi32> to vector<1x512xi32>
    %squeeze3A_50 = vector.shape_cast %slice3A_49 : vector<1x512xi32> to vector<512xi32>
    %iota3A_51 = tpu.iota {dimensions = array<i32: 0>} : vector<50x512xi32>
    %broadcast_in_dim3A_52 = vector.shape_cast %squeeze3A_50 : vector<512xi32> to vector<1x512xi32>
    %eq3A_53 = vector.broadcast %broadcast_in_dim3A_52 : vector<1x512xi32> to vector<50x512xi32>
    %eq3A_54 = arith.cmpi eq, %eq3A_53, %iota3A_51 : vector<50x512xi32>
    %convert_element_type3A_55 = arith.extui %eq3A_54 : vector<50x512xi1> to vector<50x512xi32>
    %convert_element_type3A_56 = arith.sitofp %convert_element_type3A_55 : vector<50x512xi32> to vector<50x512xf32>
    %get3A_57 = arith.constant 3 : index
    %get3A_58 = arith.constant 0 : index
    %get3A_59 = arith.constant 0 : index
    %get3A_60 = vector.load %arg8[%get3A_57, %get3A_58, %get3A_59] : memref<6x50x256xf32, #tpu.memory_space<vmem>>, vector<1x50x256xf32>
    %get3A_61 = vector.shape_cast %get3A_60 : vector<1x50x256xf32> to vector<50x256xf32>
    %dot_general3A_62 = arith.constant dense<0.000000e+00> : vector<512x256xf32>
    %dot_general3A_63 = tpu.matmul %convert_element_type3A_56, %get3A_61, %dot_general3A_62 {dimension_numbers = #tpu.dot_dimension_numbers<[0], [0], [1], [1], [0, 1, 1, 1], [], []>, transpose_lhs_hint = false} : vector<50x512xf32>, vector<50x256xf32>, vector<512x256xf32> -> vector<512x256xf32>
    %add3A_64 = arith.addf %add3A_48, %dot_general3A_63 : vector<512x256xf32>
    %slice3A_65 = vector.extract_strided_slice %rem3A_7 {offsets = [4, 0], sizes = [1, 512], strides = [1, 1]} : vector<6x512xi32> to vector<1x512xi32>
    %squeeze3A_66 = vector.shape_cast %slice3A_65 : vector<1x512xi32> to vector<512xi32>
    %iota3A_67 = tpu.iota {dimensions = array<i32: 0>} : vector<50x512xi32>
    %broadcast_in_dim3A_68 = vector.shape_cast %squeeze3A_66 : vector<512xi32> to vector<1x512xi32>
    %eq3A_69 = vector.broadcast %broadcast_in_dim3A_68 : vector<1x512xi32> to vector<50x512xi32>
    %eq3A_70 = arith.cmpi eq, %eq3A_69, %iota3A_67 : vector<50x512xi32>
    %convert_element_type3A_71 = arith.extui %eq3A_70 : vector<50x512xi1> to vector<50x512xi32>
    %convert_element_type3A_72 = arith.sitofp %convert_element_type3A_71 : vector<50x512xi32> to vector<50x512xf32>
    %get3A_73 = arith.constant 4 : index
    %get3A_74 = arith.constant 0 : index
    %get3A_75 = arith.constant 0 : index
    %get3A_76 = vector.load %arg8[%get3A_73, %get3A_74, %get3A_75] : memref<6x50x256xf32, #tpu.memory_space<vmem>>, vector<1x50x256xf32>
    %get3A_77 = vector.shape_cast %get3A_76 : vector<1x50x256xf32> to vector<50x256xf32>
    %dot_general3A_78 = arith.constant dense<0.000000e+00> : vector<512x256xf32>
    %dot_general3A_79 = tpu.matmul %convert_element_type3A_72, %get3A_77, %dot_general3A_78 {dimension_numbers = #tpu.dot_dimension_numbers<[0], [0], [1], [1], [0, 1, 1, 1], [], []>, transpose_lhs_hint = false} : vector<50x512xf32>, vector<50x256xf32>, vector<512x256xf32> -> vector<512x256xf32>
    %add3A_80 = arith.addf %add3A_64, %dot_general3A_79 : vector<512x256xf32>
    %slice3A_81 = vector.extract_strided_slice %rem3A_7 {offsets = [5, 0], sizes = [1, 512], strides = [1, 1]} : vector<6x512xi32> to vector<1x512xi32>
    %squeeze3A_82 = vector.shape_cast %slice3A_81 : vector<1x512xi32> to vector<512xi32>
    %iota3A_83 = tpu.iota {dimensions = array<i32: 0>} : vector<50x512xi32>
    %broadcast_in_dim3A_84 = vector.shape_cast %squeeze3A_82 : vector<512xi32> to vector<1x512xi32>
    %eq3A_85 = vector.broadcast %broadcast_in_dim3A_84 : vector<1x512xi32> to vector<50x512xi32>
    %eq3A_86 = arith.cmpi eq, %eq3A_85, %iota3A_83 : vector<50x512xi32>
    %convert_element_type3A_87 = arith.extui %eq3A_86 : vector<50x512xi1> to vector<50x512xi32>
    %convert_element_type3A_88 = arith.sitofp %convert_element_type3A_87 : vector<50x512xi32> to vector<50x512xf32>
    %get3A_89 = arith.constant 5 : index
    %get3A_90 = arith.constant 0 : index
    %get3A_91 = arith.constant 0 : index
    %get3A_92 = vector.load %arg8[%get3A_89, %get3A_90, %get3A_91] : memref<6x50x256xf32, #tpu.memory_space<vmem>>, vector<1x50x256xf32>
    %get3A_93 = vector.shape_cast %get3A_92 : vector<1x50x256xf32> to vector<50x256xf32>
    %dot_general3A_94 = arith.constant dense<0.000000e+00> : vector<512x256xf32>
    %dot_general3A_95 = tpu.matmul %convert_element_type3A_88, %get3A_93, %dot_general3A_94 {dimension_numbers = #tpu.dot_dimension_numbers<[0], [0], [1], [1], [0, 1, 1, 1], [], []>, transpose_lhs_hint = false} : vector<50x512xf32>, vector<50x256xf32>, vector<512x256xf32> -> vector<512x256xf32>
    %add3A_96 = arith.addf %add3A_80, %dot_general3A_95 : vector<512x256xf32>
    %get3A_97 = arith.constant 0 : index
    %get3A_98 = arith.constant 0 : index
    %get3A_99 = vector.load %arg4[%get3A_97, %get3A_98] : memref<1x256xf32, #tpu.memory_space<vmem>>, vector<1x256xf32>
    %add3A_100 = vector.broadcast %get3A_99 : vector<1x256xf32> to vector<512x256xf32>
    %add3A_101 = arith.addf %add3A_96, %add3A_100 : vector<512x256xf32>
    %ge3A = arith.constant 0.000000e+00 : f32
    %ge3A_102 = vector.broadcast %ge3A : f32 to vector<512x256xf32>
    %ge3A_103 = arith.cmpf oge, %add3A_101, %ge3A_102 : vector<512x256xf32>
    %mul3A = arith.constant 2.000000e-01 : f32
    %mul3A_104 = vector.broadcast %mul3A : f32 to vector<512x256xf32>
    %mul3A_105 = arith.mulf %mul3A_104, %add3A_101 : vector<512x256xf32>
    %select_n3A = arith.select %ge3A_103, %add3A_101, %mul3A_105 : vector<512x256xi1>, vector<512x256xf32>
    %get3A_106 = arith.constant 0 : index
    %get3A_107 = arith.constant 0 : index
    %get3A_108 = vector.load %arg5[%get3A_106, %get3A_107] : memref<256x128xf32, #tpu.memory_space<vmem>>, vector<256x128xf32>
    %dot_general3A_109 = arith.constant dense<0.000000e+00> : vector<512x128xf32>
    %dot_general3A_110 = tpu.matmul %select_n3A, %get3A_108, %dot_general3A_109 {dimension_numbers = #tpu.dot_dimension_numbers<[1], [0], [0], [1], [0, 0, 1, 1], [], []>, transpose_lhs_hint = false} : vector<512x256xf32>, vector<256x128xf32>, vector<512x128xf32> -> vector<512x128xf32>
    %get3A_111 = arith.constant 0 : index
    %get3A_112 = arith.constant 0 : index
    %get3A_113 = vector.load %arg6[%get3A_111, %get3A_112] : memref<1x128xf32, #tpu.memory_space<vmem>>, vector<1x128xf32>
    %add3A_114 = vector.broadcast %get3A_113 : vector<1x128xf32> to vector<512x128xf32>
    %add3A_115 = arith.addf %dot_general3A_110, %add3A_114 : vector<512x128xf32>
    %ge3A_116 = arith.constant 0.000000e+00 : f32
    %ge3A_117 = vector.broadcast %ge3A_116 : f32 to vector<512x128xf32>
    %ge3A_118 = arith.cmpf oge, %add3A_115, %ge3A_117 : vector<512x128xf32>
    %mul3A_119 = arith.constant 2.000000e-01 : f32
    %mul3A_120 = vector.broadcast %mul3A_119 : f32 to vector<512x128xf32>
    %mul3A_121 = arith.mulf %mul3A_120, %add3A_115 : vector<512x128xf32>
    %select_n3A_122 = arith.select %ge3A_118, %add3A_115, %mul3A_121 : vector<512x128xi1>, vector<512x128xf32>
    %swap3A = arith.constant 0 : index
    %swap3A_123 = arith.constant 0 : index
    %swap3A_124 = vector.load %arg7[%swap3A, %swap3A_123] : memref<512x128xf32, #tpu.memory_space<vmem>>, vector<512x128xf32>
    tpu.vector_store %arg7[%swap3A, %swap3A_123], %select_n3A_122 {strides = array<i32>} : memref<512x128xf32, #tpu.memory_space<vmem>>, vector<512x128xf32>,
    return
  }
  func.func @transform_0(%arg0: i32) -> (i32, i32, i32) {
    %c0_i32 = arith.constant 0 : i32
    %c0_i32_0 = arith.constant 0 : i32
    %c0_i32_1 = arith.constant 0 : i32
    return %arg0, %c0_i32, %c0_i32_0 : i32, i32, i32
  }
  func.func @transform_1(%arg0: i32) -> (i32, i32, i32) {
    %c0_i32 = arith.constant 0 : i32
    %c0_i32_0 = arith.constant 0 : i32
    %c0_i32_1 = arith.constant 0 : i32
    %c0_i32_2 = arith.constant 0 : i32
    return %c0_i32, %c0_i32_0, %c0_i32_1 : i32, i32, i32
  }
  func.func @transform_2(%arg0: i32) -> (i32, i32) {
    %c0_i32 = arith.constant 0 : i32
    %c0_i32_0 = arith.constant 0 : i32
    %c0_i32_1 = arith.constant 0 : i32
    return %c0_i32, %c0_i32_0 : i32, i32
  }
  func.func @transform_3(%arg0: i32) -> (i32, i32) {
    %c0_i32 = arith.constant 0 : i32
    %c0_i32_0 = arith.constant 0 : i32
    %c0_i32_1 = arith.constant 0 : i32
    return %c0_i32, %c0_i32_0 : i32, i32
  }
  func.func @transform_4(%arg0: i32) -> (i32, i32) {
    %c0_i32 = arith.constant 0 : i32
    %c0_i32_0 = arith.constant 0 : i32
    %c0_i32_1 = arith.constant 0 : i32
    return %c0_i32, %c0_i32_0 : i32, i32
  }
  func.func @transform_5(%arg0: i32) -> (i32, i32) {
    %c0_i32 = arith.constant 0 : i32
    %c0_i32_0 = arith.constant 0 : i32
    %c0_i32_1 = arith.constant 0 : i32
    return %c0_i32, %c0_i32_0 : i32, i32
  }
  func.func @transform_6(%arg0: i32) -> (i32, i32) {
    %c0_i32 = arith.constant 0 : i32
    %c0_i32_0 = arith.constant 0 : i32
    return %arg0, %c0_i32 : i32, i32
  }
}

module attributes {stable_mosaic.version = 14 : i64} {
  func.func @_dense_kernel(%arg0: i32, %arg1: memref<512x384xbf16, #tpu.memory_space<vmem>>, %arg2: memref<384x256xf32, #tpu.memory_space<vmem>>, %arg3: memref<1x256xf32, #tpu.memory_space<vmem>>, %arg4: memref<256x128xf32, #tpu.memory_space<vmem>>, %arg5: memref<1x128xf32, #tpu.memory_space<vmem>>, %arg6: memref<16384x128xf32, #tpu.memory_space<any>>, %arg7: memref<512x128xf32, #tpu.memory_space<vmem>>) attributes {dimension_semantics = [#tpu.dimension_semantics<arbitrary>], iteration_bounds = array<i64: 4>, scalar_prefetch = 0 : i64, scratch_operands = 0 : i64, tpu.core_type = #tpu.core_type<tc>, window_params = [{transform_indices = @transform_0, window_bounds = array<i64: 512, 384>}, {pipeline_mode = #tpu.pipeline_mode<synchronous>, transform_indices = @transform_1, window_bounds = array<i64: 384, 256>}, {pipeline_mode = #tpu.pipeline_mode<synchronous>, transform_indices = @transform_2, window_bounds = array<i64: 1, 256>}, {pipeline_mode = #tpu.pipeline_mode<synchronous>, transform_indices = @transform_3, window_bounds = array<i64: 256, 128>}, {pipeline_mode = #tpu.pipeline_mode<synchronous>, transform_indices = @transform_4, window_bounds = array<i64: 1, 128>}, {}, {transform_indices = @transform_6, window_bounds = array<i64: 512, 128>}]} {
    %get3A = arith.constant 0 : index
    %get3A_0 = arith.constant 0 : index
    %get3A_1 = vector.load %arg1[%get3A, %get3A_0] : memref<512x384xbf16, #tpu.memory_space<vmem>>, vector<512x384xbf16>
    %convert_element_type3A = arith.extf %get3A_1 : vector<512x384xbf16> to vector<512x384xf32>
    %get3A_2 = arith.constant 0 : index
    %get3A_3 = arith.constant 0 : index
    %get3A_4 = vector.load %arg2[%get3A_2, %get3A_3] : memref<384x256xf32, #tpu.memory_space<vmem>>, vector<384x256xf32>
    %dot_general3A = arith.constant dense<0.000000e+00> : vector<512x256xf32>
    %dot_general3A_5 = tpu.matmul %convert_element_type3A, %get3A_4, %dot_general3A {dimension_numbers = #tpu.dot_dimension_numbers<[1], [0], [0], [1], [0, 0, 1, 1], [], []>, transpose_lhs_hint = false} : vector<512x384xf32>, vector<384x256xf32>, vector<512x256xf32> -> vector<512x256xf32>
    %get3A_6 = arith.constant 0 : index
    %get3A_7 = arith.constant 0 : index
    %get3A_8 = vector.load %arg3[%get3A_6, %get3A_7] : memref<1x256xf32, #tpu.memory_space<vmem>>, vector<1x256xf32>
    %add3A = vector.broadcast %get3A_8 : vector<1x256xf32> to vector<512x256xf32>
    %add3A_9 = arith.addf %dot_general3A_5, %add3A : vector<512x256xf32>
    %ge3A = arith.constant 0.000000e+00 : f32
    %ge3A_10 = vector.broadcast %ge3A : f32 to vector<512x256xf32>
    %ge3A_11 = arith.cmpf oge, %add3A_9, %ge3A_10 : vector<512x256xf32>
    %mul3A = arith.constant 2.000000e-01 : f32
    %mul3A_12 = vector.broadcast %mul3A : f32 to vector<512x256xf32>
    %mul3A_13 = arith.mulf %mul3A_12, %add3A_9 : vector<512x256xf32>
    %select_n3A = arith.select %ge3A_11, %add3A_9, %mul3A_13 : vector<512x256xi1>, vector<512x256xf32>
    %get3A_14 = arith.constant 0 : index
    %get3A_15 = arith.constant 0 : index
    %get3A_16 = vector.load %arg4[%get3A_14, %get3A_15] : memref<256x128xf32, #tpu.memory_space<vmem>>, vector<256x128xf32>
    %dot_general3A_17 = arith.constant dense<0.000000e+00> : vector<512x128xf32>
    %dot_general3A_18 = tpu.matmul %select_n3A, %get3A_16, %dot_general3A_17 {dimension_numbers = #tpu.dot_dimension_numbers<[1], [0], [0], [1], [0, 0, 1, 1], [], []>, transpose_lhs_hint = false} : vector<512x256xf32>, vector<256x128xf32>, vector<512x128xf32> -> vector<512x128xf32>
    %get3A_19 = arith.constant 0 : index
    %get3A_20 = arith.constant 0 : index
    %get3A_21 = vector.load %arg5[%get3A_19, %get3A_20] : memref<1x128xf32, #tpu.memory_space<vmem>>, vector<1x128xf32>
    %add3A_22 = vector.broadcast %get3A_21 : vector<1x128xf32> to vector<512x128xf32>
    %add3A_23 = arith.addf %dot_general3A_18, %add3A_22 : vector<512x128xf32>
    %ge3A_24 = arith.constant 0.000000e+00 : f32
    %ge3A_25 = vector.broadcast %ge3A_24 : f32 to vector<512x128xf32>
    %ge3A_26 = arith.cmpf oge, %add3A_23, %ge3A_25 : vector<512x128xf32>
    %mul3A_27 = arith.constant 2.000000e-01 : f32
    %mul3A_28 = vector.broadcast %mul3A_27 : f32 to vector<512x128xf32>
    %mul3A_29 = arith.mulf %mul3A_28, %add3A_23 : vector<512x128xf32>
    %select_n3A_30 = arith.select %ge3A_26, %add3A_23, %mul3A_29 : vector<512x128xi1>, vector<512x128xf32>
    %swap3A = arith.constant 0 : index
    %swap3A_31 = arith.constant 0 : index
    %swap3A_32 = vector.load %arg7[%swap3A, %swap3A_31] : memref<512x128xf32, #tpu.memory_space<vmem>>, vector<512x128xf32>
    tpu.vector_store %arg7[%swap3A, %swap3A_31], %select_n3A_30 {strides = array<i32>} : memref<512x128xf32, #tpu.memory_space<vmem>>, vector<512x128xf32>,
    return
  }
  func.func @transform_0(%arg0: i32) -> (i32, i32) {
    %c0_i32 = arith.constant 0 : i32
    %c0_i32_0 = arith.constant 0 : i32
    return %arg0, %c0_i32 : i32, i32
  }
  func.func @transform_1(%arg0: i32) -> (i32, i32) {
    %c0_i32 = arith.constant 0 : i32
    %c0_i32_0 = arith.constant 0 : i32
    %c0_i32_1 = arith.constant 0 : i32
    return %c0_i32, %c0_i32_0 : i32, i32
  }
  func.func @transform_2(%arg0: i32) -> (i32, i32) {
    %c0_i32 = arith.constant 0 : i32
    %c0_i32_0 = arith.constant 0 : i32
    %c0_i32_1 = arith.constant 0 : i32
    return %c0_i32, %c0_i32_0 : i32, i32
  }
  func.func @transform_3(%arg0: i32) -> (i32, i32) {
    %c0_i32 = arith.constant 0 : i32
    %c0_i32_0 = arith.constant 0 : i32
    %c0_i32_1 = arith.constant 0 : i32
    return %c0_i32, %c0_i32_0 : i32, i32
  }
  func.func @transform_4(%arg0: i32) -> (i32, i32) {
    %c0_i32 = arith.constant 0 : i32
    %c0_i32_0 = arith.constant 0 : i32
    %c0_i32_1 = arith.constant 0 : i32
    return %c0_i32, %c0_i32_0 : i32, i32
  }
  func.func @transform_6(%arg0: i32) -> (i32, i32) {
    %add3A = arith.constant 28 : i32
    %add3A_0 = arith.addi %add3A, %arg0 : i32
    %c0_i32 = arith.constant 0 : i32
    %c0_i32_1 = arith.constant 0 : i32
    return %add3A_0, %c0_i32 : i32, i32
  }
}

</mosaic_0001>

<sc_bundles>
// kernel: kernel.5.cloned.1.call-start
scs
__scs_entry_jumppad:
0x0: {  	(pc) =	sbr.rel $0x88, $3  }
0x1: {  	(tag) =	ssettag $0x0;
	lr =	simm.s32 $0x1  }
0x2: {  	[smem:$0x3F91] =	sst lr;
	_ =	strace $0xD0000000  }
0x3: {  	_ = 	snop  }
0x4: {  	_ = 	snop  }
0x5: {  	_ = 	snop  }
0x6: {  	_ = 	snop  }
0x7: {  	_ = 	snop  }
__scs_overlays_trampoline_lowered:
0x8: {  	[smem:$0x3FA0] =	sst s0  }
0x9: {  	[smem:$0x3FA1] =	sst s1  }
0xa: {  	[smem:$0x3FA2] =	sst s2  }
0xb: {  	[smem:$0x3FA3] =	sst s3  }
0xc: {  	[smem:$0x3FA4] =	sst s4  }
0xd: {  	[smem:$0x3FA5] =	sst s5  }
0xe: {  	[smem:$0x3FA6] =	sst s6  }
0xf: {  	[smem:$0x3FA7] =	sst s7  }
0x10: {  	[smem:$0x3FA8] =	sst s8  }
0x11: {  	[smem:$0x3FA9] =	sst s9;
	s0 =	simm.s32 @!p0 $0x0  }
0x12: {  	s1 =	sld [smem:$0x3F8F];
	s0 =	simm.s32 @p0 $0x1  }
0x13: {  	[smem:$0x3FAA] =	sst s0;
	s0 =	simm.s32 @!p1 $0x0  }
0x14: {  	s2 =	sld [smem:$0x3F8E];
	s0 =	simm.s32 @p1 $0x1  }
0x15: {  	[smem:$0x3FAB] =	sst s0;
	s0 =	simm.s32 @!p2 $0x0  }
0x16: {  	s3 =	sld [smem:$0x3FDB];
	s0 =	simm.s32 @p2 $0x1  }
0x17: {  	s4 =	simm.s32 $0x1BF5;
	[smem:$0x3FAD] =	sst s0  }
0x18: {  	s0 =	sld [smem:$0x3F90];
	_ =	swait.ge [sflag:s4], $0x0  }
0x19: {  	s7 =	sld [smem:$0x3F91]  }
0x1a: {  	s8 =	sadd.s32 $0xFFFFE003, lr  }
0x1b: {  	s9 =	sadd.s32 $0xFFFFFEF7, lr;
	s5 =	simm.s32 $0xFFFFFFFF;
	p2 =	slt.u32 s8, $0xFFFFF086  }
0x1c: {  	p1 =	slt.u32 s9, $0xF7A;
	s5 =	simm.s32 @!p2 $0x0  }
0x1d: {  	s5 =	simm.s32 @p1 $0x1;
	p0 =	seq.s32 s7, s2  }
0x1e: {  	s7 =	smul.u32 @!p0 $0xF7A, s2;
	p2 =	seq.s32 @!p0 s5, $0x0  }
0x1f: {  	s9 =	smul.u32 $0xF7A, s1;
	s8 =	simm.s32 @!p0 $0x1BF5;
	p2 =	por !p2, p0  }
0x20: {  	[sflag:s8] =	ssyncset.s32 @!p0 $0xFFFFF086;
	s6 =	sadd.s32 @!p0 s3, s7;
	s7 =	simm.s32 @!p0 $0x108  }
0x21: {  	s3 =	sadd.s32 s3, s9;
	s6 =	sadd.s32 @!p0 $0x88, s6;
	s7 =	simm.s32 @p2 $0x1082  }
0x22: {  	[simem:s7], [sflag:s8] =	dma.local @!p0 [hbm:s6], $0xF7A  }
0x23: {  	s9 =	sor.u32 $0xD0000000, s2;
	s6 =	simm.s32 $0x108;
	_ =	swait.ge @!p0 [sflag:s8], $0x0  }
0x24: {  	s3 =	sadd.s32 $0x88, s3;
	s6 =	simm.s32 @!p1 $0x1082;
	[sflag:s4] =	ssyncset.s32 $0xFFFFF086  }
0x25: {  	[simem:s6], [sflag:s4] =	dma.local [hbm:s3], $0xF7A  }
0x26: {  	[smem:$0x3F91] =	sst s1;
	(tag) =	ssettag s2;
	_ =	strace s9  }
0x27: {  	s1 =	sld [smem:$0x3FA1]  }
0x28: {  	s2 =	sld [smem:$0x3FA2]  }
0x29: {  	s4 =	sld [smem:$0x3FA4]  }
0x2a: {  	p0 =	seq.s32 s5, $0x0;
	s5 =	sld [smem:$0x3FA5]  }
0x2b: {  	s6 =	sld [smem:$0x3FA6]  }
0x2c: {  	s7 =	sld [smem:$0x3FA7]  }
0x2d: {  	s3 =	simm.s32 $0x108;
	s8 =	sld [smem:$0x3FA8]  }
0x2e: {  	s3 =	simm.s32 @!p0 $0x1082;
	s9 =	sld [smem:$0x3FA9]  }
0x2f: {  	lr =	sadd.s32 s0, s3;
	s0 =	sld [smem:$0x3FA0]  }
0x30: {  	s3 =	sld [smem:$0x3FA3]  }
0x31: {  	[smem:$0x3FAC] =	sst s10  }
0x32: {  	s10 =	sld [smem:$0x3FAA];
	_ =	sdelay $0x3  }
0x33: {  	p0 =	seq.s32 s10, $0x1;
	s10 =	sld [smem:$0x3FAC];
	_ =	sdelay $0x3  }
0x34: {  	[smem:$0x3FAC] =	sst s10  }
0x35: {  	s10 =	sld [smem:$0x3FAB];
	_ =	sdelay $0x3  }
0x36: {  	p1 =	seq.s32 s10, $0x1;
	s10 =	sld [smem:$0x3FAC];
	_ =	sdelay $0x3  }
0x37: {  	[smem:$0x3FAC] =	sst s10  }
0x38: {  	s10 =	sld [smem:$0x3FAD]  }
0x39: {  	_ = 	snop;
	(pc) =	sbr.ind lr, $3  }
0x3a: {  	_ = 	snop  }
0x3b: {  	_ = 	snop  }
0x3c: {  	p2 =	seq.s32 s10, $0x1;
	s10 =	sld [smem:$0x3FAC]  }
0x3d: {  	_ =	shalt  }
0x3e: {  	_ =	shalt  }
0x3f: {  	_ =	shalt  }
0x40: {  	_ =	shalt  }
0x41: {  	_ =	shalt  }
0x42: {  	_ =	shalt  }
0x43: {  	_ =	shalt  }
0x44: {  	_ =	shalt  }
0x45: {  	_ =	shalt  }
0x46: {  	_ =	shalt  }
0x47: {  	_ =	shalt  }
0x48: {  	_ =	shalt  }
0x49: {  	_ =	shalt  }
0x4a: {  	_ =	shalt  }
0x4b: {  	_ =	shalt  }
0x4c: {  	_ =	shalt  }
0x4d: {  	_ =	shalt  }
0x4e: {  	_ =	shalt  }
0x4f: {  	_ =	shalt  }
0x50: {  	_ =	shalt  }
0x51: {  	_ =	shalt  }
0x52: {  	_ =	shalt  }
0x53: {  	_ =	shalt  }
0x54: {  	_ =	shalt  }
0x55: {  	_ =	shalt  }
0x56: {  	_ =	shalt  }
0x57: {  	_ =	shalt  }
0x58: {  	_ =	shalt  }
0x59: {  	_ =	shalt  }
0x5a: {  	_ =	shalt  }
0x5b: {  	_ =	shalt  }
0x5c: {  	_ =	shalt  }
0x5d: {  	_ =	shalt  }
0x5e: {  	_ =	shalt  }
0x5f: {  	_ =	shalt  }
0x60: {  	_ =	shalt  }
0x61: {  	_ =	shalt  }
0x62: {  	_ =	shalt  }
0x63: {  	_ =	shalt  }
0x64: {  	_ =	shalt  }
0x65: {  	_ =	shalt  }
0x66: {  	_ =	shalt  }
0x67: {  	_ =	shalt  }
0x68: {  	_ =	shalt  }
0x69: {  	_ =	shalt  }
0x6a: {  	_ =	shalt  }
0x6b: {  	_ =	shalt  }
0x6c: {  	_ =	shalt  }
0x6d: {  	_ =	shalt  }
0x6e: {  	_ =	shalt  }
0x6f: {  	_ =	shalt  }
0x70: {  	_ =	shalt  }
0x71: {  	_ =	shalt  }
0x72: {  	_ =	shalt  }
0x73: {  	_ =	shalt  }
0x74: {  	_ =	shalt  }
0x75: {  	_ =	shalt  }
0x76: {  	_ =	shalt  }
0x77: {  	_ =	shalt  }
0x78: {  	_ =	shalt  }
0x79: {  	_ =	shalt  }
0x7a: {  	_ =	shalt  }
0x7b: {  	_ =	shalt  }
0x7c: {  	_ =	shalt  }
0x7d: {  	_ =	shalt  }
0x7e: {  	_ =	shalt  }
0x7f: {  	_ =	shalt  }
0x80: {  	_ =	shalt  }
0x81: {  	_ =	shalt  }
0x82: {  	_ =	shalt  }
0x83: {  	_ =	shalt  }
0x84: {  	_ =	shalt  }
0x85: {  	_ =	shalt  }
0x86: {  	_ =	shalt  }
0x87: {  	_ =	shalt  }
.Lfunc_end0:
.L_simem_size_0:
called_computation_lowered:
.L_overlay_start_0:
0x88: {  	s0 =	sld [smem:$0x3FD9]  }
0x89: {  	s1 =	sld [smem:$0x3FFE];
	_ =	sdelay $0x3  }
0x8a: {  	s0 =	sadd.s32 s1, s0  }
0x8b: {  	[smem:$0x3FB8] =	sst s0  }
0x8c: {  	_ = 	snop  }
0x8d: {  	(tm) =	ssettm $0x1  }
0x8e: {  	s15 =	sld [smem:$0x3FFB];
	_ =	sdelay $0x3  }
0x8f: {  	_ =	strace s15  }
0x90: {  	s0 =	sld [smem:$0x3FFC];
	_ =	sdelay $0x3  }
0x91: {  	_ =	strace s0  }
0x92: {  	s0 =	sld [smem:$0x3FFD];
	_ =	sdelay $0x3  }
0x93: {  	_ =	strace s0  }
0x94: {  	_ =	strace $0x8FFFFFFF  }
0x95: {  	s16 =	sld [smem:$0x3FDB];
	_ =	sdelay $0x1  }
0x96: {  	s17 =	simm.s32 $_scs_section_size  }
0x97: {  	s2 =	simm.s32 $_size__tile_overlayer_lowered;
	s3 =	simm.s32 $_tile_overlayer_lowered  }
0x98: {  	s20 =	simm.s32 $0x1BFF;
	s19 =	sshll.u32 s3, $0x1;
	s0 =	sadd.s32 s17, s16  }
0x99: {  	s4 =	simm.s32 $0x0;
	s18 =	sshll.u32 s2, $0x1;
	s2 =	sadd.s32 s19, s0  }
0x9a: {  	[timem:s4], [sflag:s20] =	dma.local [hbm:s2], s18  }
0x9b: {  	_ =	swait.ge [sflag:s20], s18  }
0x9c: {  	s1 =	ssub.s32 $0x0, s18;
	[sflag:s20] =	ssyncset.done $0x0  }
0x9d: {  	[sflag:s20] =	ssyncadd.s32 s1;
	_ =	sdelay $0x1  }
0x9e: {  	s21 =	simm.s32 $0x1B8B  }
0x9f: {  	_ =	swait.ge [sflag:s21], $0x1  }
0xa0: {  	[sflag:s21] =	ssyncset.done $0x0  }
0xa1: {  	s23 =	simm.s32 $0x1B8E;
	s22 =	sld [smem:$0x3FFE];
	[sflag:s21] =	ssyncadd.s32 $0xFFFFFFFF  }
0xa2: {  	s24 =	simm.s32 $execute0_lowered;
	[smem:$0x3FD2] =	sst s23  }
0xa3: {  	s2 =	sshll.u32 s24, $0x1;
	_ =	strace $0x80000046;
	[dreg:$0x1] =	wrdreg $0xFFFFFFFF  }
0xa4: {  	s25 =	simm.s32 $_size_execute0_lowered;
	s0 =	sadd.s32 s0, s2;
	[dreg:$0x0] =	wrdreg $0x0  }
0xa5: {  	s2 =	sshll.u32 s25, $0x1;
	[dreg:$0x2] =	wrdreg s0  }
0xa6: {  	[dreg:$0x3] =	wrdreg s2  }
0xa7: {  	[dreg:$0x4] =	wrdreg $0xC0  }
0xa8: {  	_ =	task [dreg:s4], $0x5FFFF  }
0xa9: {  	[dreg:$0x1] =	wrdreg $0xFFFFFFFF  }
0xaa: {  	[dreg:$0x0] =	wrdreg $0x60  }
0xab: {  	[dreg:$0x2] =	wrdreg s22  }
0xac: {  	[dreg:$0x3] =	wrdreg $0x9  }
0xad: {  	_ =	task.clear_ibuf [dreg:s4], $0x4FFFF;
	_ =	strace $0x90000046  }
0xae: {  	s26 =	simm.s32 $0x9;
	_ =	strace $0x80000048  }
0xaf: {  	_ =	swait.ge [sflag:s26], $0x1  }
0xb0: {  	[sflag:s26] =	ssyncadd.s32 $0xFFFFFFFF  }
0xb1: {  	_ =	strace $0x90000048  }
0xb2: {  	_ =	sfence  }
0xb3: {  	s28 =	sld [smem:$0x0];
	_ =	sdelay $0x1  }
0xb4: {  	s29 =	srdreg.scid  }
0xb5: {  	s30 =	sshll.u32 s29, $0xD;
	s31 =	sshrl.u32 s29, $0x2  }
0xb6: {  	s1 =	sand.u32 $0x1, s29;
	s2 =	sand.u32 $0x4000, s30;
	s0 =	sadd.s32 s31, s28  }
0xb7: {  	s1 =	sor.u32 s2, s1;
	s0 =	sshll.u32 s0, $0x11  }
0xb8: {  	s0 =	sor.u32 s0, s1  }
0xb9: {  	s0 =	sadd.s32 $0x8F2B, s0  }
0xba: {  	[sflag:s0] =	ssyncadd.remote.s32 $0x1  }
0xbb: {  	_ =	sfence.sel $0xFFFF  }
0xbc: {  	[dreg:$0x0] =	wrdreg $0xFFFFFFFF;
	(pc) =	sbr.abs _section_cstart, $3  }
0xbd: {  	[dreg:$0x1] =	wrdreg $0xFFFFFFFF  }
0xbe: {  	_ =	task.clear_ibuf [dreg:s4], $0x2FFFF;
	_ =	strace $0x9FFFFFFF  }
0xbf: {  	(tm) =	ssettm $0x7FFFFFFF  }
tec
execute0_lowered:
.L_overlay_start_1:
0x0: {  	(tag) =	ssettag $0x1  }
0x1: {  	s0 =	stileid.u32  }
0x2: {  	s0 =	smul.u32 $0x60, s0  }
0x3: {  	s3 =	rddreg [dreg:$0x0];
	s1 =	simm.s32 $0x0  }
0x4: {  	[smem:$0x7FF] =	sst s1;
	s0 =	sadd.s32 s0, s3  }
0x5: {  	s21 =	simm.s32 $0x3;
	_ =	strace $0x80000047;
	s0 =	sadd.s32 $0x1E00, s0  }
0x6: {  	[tilespmem:s1], [sflag:$0x3] =	stream.linear.gather [hbm4b:s0+s1], $0x300, $0x38;
	[tilespmem:$0x6300] =	vst v63  }
0x7: {  	_ =	swait.ge [sflag:s21], $0x300  }
0x8: {  	[sflag:s21] =	ssyncset.done $0x0  }
0x9: {  	[sflag:s21] =	ssyncadd.s32 $0xFFFFFD00  }
0xa: {  	v0 =	vld [tilespmem:s1+$0x0];
	_ =	sdelay $0x4  }
0xb: {  	(v2sf) =	vpush v0, $0xC  }
0xc: {  	(v2sf) =	vpush v0, $0x7;
	_ =	sdelay $0x2  }
0xd: {  	(v2sf) =	vpush v0, $0x0  }
0xe: {  	(v2sf) =	vpush v0, $0x8;
	_ =	sdelay $0x1  }
0xf: {  	(v2sf) =	vpush v0, $0xD;
	_ =	sdelay $0x1  }
0x10: {  	(v2sf) =	vpush v0, $0x9  }
0x11: {  	(v2sf) =	vpush v0, $0xE  }
0x12: {  	(v2sf) =	vpush v0, $0x5;
	_ =	sdelay $0x1  }
0x13: {  	(v2sf) =	vpush v0, $0x2;
	_ =	sdelay $0x1  }
0x14: {  	s22 =	simm.s32 $0x0;
	(v2sf) =	vpush v0, $0xA;
	s23 =	spop (v2sf)  }
0x15: {  	s4 =	sadd.s32 $0x1800, s3;
	s24 =	smulhi.u32 $0x51EB851F, s23;
	s25 =	spop (v2sf)  }
0x16: {  	[dreg:$0x2] =	wrdreg s22;
	(v2sf) =	vpush v0, $0x6;
	s0 =	sshra.s32 s23, $0x1F;
	s2 =	smulhi.u32 $0x51EB851F, s25  }
0x17: {  	[dreg:$0x7] =	wrdreg s4;
	s1 =	sshra.s32 s25, $0x1F;
	s14 =	smul.u32 $0x51EB851F, s0  }
0x18: {  	s3 =	sadd.s32 $0x2400, s3;
	s5 =	spop (v2sf);
	s1 =	smul.u32 $0x51EB851F, s1  }
0x19: {  	(v2sf) =	vpush v0, $0xF;
	s6 =	spop (v2sf);
	s10 =	sshra.s32 s5, $0x1F;
	s5 =	smulhi.u32 $0x51EB851F, s5  }
0x1a: {  	[dreg:$0x8] =	wrdreg s3;
	(v2sf) =	vpush v0, $0xB;
	s8 =	smulhi.u32 $0x51EB851F, s6  }
0x1b: {  	(v2sf) =	vpush v0, $0x1;
	s7 =	spop (v2sf);
	s13 =	smul.u32 $0x51EB851F, s10  }
0x1c: {  	(v2sf) =	vpush v0, $0x3;
	[dreg:$0x6] =	wrdreg s24;
	s6 =	sshra.s32 s6, $0x1F;
	s11 =	smulhi.u32 $0x51EB851F, s7  }
0x1d: {  	s6 =	smul.u32 $0x51EB851F, s6;
	s15 =	spop (v2sf);
	s7 =	sshra.s32 s7, $0x1F  }
0x1e: {  	(v2sf) =	vpush v0, $0x4;
	s26 =	spop (v2sf);
	s12 =	smul.u32 $0x51EB851F, s7  }
0x1f: {  	s7 =	sadd.s32 s1, s2;
	s30 =	spop (v2sf);
	s17 =	smulhi.u32 $0x51EB851F, s26  }
0x20: {  	s9 =	sshra.s32 s26, $0x1F;
	s31 =	sadd.s32 s6, s8;
	[dreg:$0x5] =	wrdreg s7  }
0x21: {  	s6 =	sshra.s32 s7, $0x1F;
	s20 =	spop (v2sf);
	s22 =	smulhi.u32 $0x51EB851F, s30  }
0x22: {  	s0 =	sshra.s32 s30, $0x1F;
	s1 =	smul.u32 $0x51EB851F, s9;
	s9 =	simm.s32 $0x0  }
0x23: {  	s16 =	spop (v2sf);
	s28 =	smulhi.u32 $0x51EB851F, s20;
	s20 =	sshra.s32 s20, $0x1F  }
0x24: {  	[dreg:$0x4] =	wrdreg s9;
	s24 =	smulhi.u32 $0x51EB851F, s16;
	s25 =	sshra.s32 s16, $0x1F  }
0x25: {  	s18 =	spop (v2sf);
	s16 =	sadd.s32 s12, s11;
	s10 =	smul.u32 $0x51EB851F, s25  }
0x26: {  	s12 =	sadd.s32 s1, s17;
	s17 =	sadd.s32 s13, s5;
	s25 =	smul.u32 $0x51EB851F, s0  }
0x27: {  	v2 =	vimm.s32 $0xECA86420;
	s1 =	sshra.s32 s31, $0x4;
	s26 =	sshra.s32 s18, $0x1F;
	s0 =	smulhi.u32 $0x51EB851F, s18  }
0x28: {  	v1 =	vlaneseq.u32;
	vm6 =	vcmask $0xB08;
	vm3 =	vcmask $0x1310;
	s23 =	spop (v2sf);
	s29 =	sshrl.u32 s16, $0x1F;
	s26 =	smul.u32 $0x51EB851F, s26  }
0x29: {  	vm2 =	vcmask $0x1B18;
	vm11 =	vcmask $0x300;
	vm8 =	vcmask $0x2320;
	s3 =	sshra.s32 s23, $0x1F;
	s10 =	sadd.s32 s10, s24;
	s19 =	spop (v2sf)  }
0x2a: {  	vm5 =	vcmask $0x2B28;
	vm4 =	vcmask $0x3330;
	vm1 =	vcmask $0x3B38;
	s21 =	spop (v2sf);
	s5 =	smulhi.u32 $0x51EB851F, s19;
	s8 =	sshra.s32 s19, $0x1F  }
0x2b: {  	vm0 =	vmmov $0xff;
	vm15 =	vcmask $0x704;
	v4 =	vmov s6;
	s24 =	sshra.s32 s15, $0x1F;
	s30 =	spop (v2sf);
	s6 =	smul.u32 $0x51EB851F, s8  }
0x2c: {  	vm14 =	vcmask $0xF0C;
	vm13 =	vcmask $0x1714;
	v2 =	vunpack.c.l.s4.s8 v2;
	s8 =	simm.s32 $0x10;
	s2 =	sshra.s32 s21, $0x1F;
	s11 =	smulhi.u32 $0x51EB851F, s30  }
0x2d: {  	vm12 =	vcmask $0x1F1C;
	vm10 =	vcmask $0x2724;
	vm9 =	vcmask $0x2F2C;
	s7 =	spop (v2sf);
	s19 =	sshra.s32 s30, $0x1F;
	s30 =	simm.s32 $0x0  }
0x2e: {  	vm7 =	vcmask $0x3734;
	v3 =	vmul.u32 $0x2, v1;
	v2 =	vunpack.c.0.s8.s32 v2;
	s13 =	smulhi.u32 $0x51EB851F, s7;
	s18 =	sshra.s32 s7, $0x1F;
	[dreg:$0x3] =	wrdreg s30  }
.LBB2_1:
0x2f: {  	s7 =	smul.u32 $0x51EB851F, s20  }
0x30: {  	s9 =	smul.u32 $0x51EB851F, s24  }
0x31: {  	s3 =	smul.u32 $0x51EB851F, s3  }
0x32: {  	s2 =	smul.u32 $0x51EB851F, s2  }
0x33: {  	s30 =	sshrl.u32 s10, $0x1F;
	s19 =	smul.u32 $0x51EB851F, s19;
	s24 =	sadd.s32 s6, s5  }
0x34: {  	s5 =	sshra.s32 s17, $0x1F;
	s6 =	smulhi.u32 $0x51EB851F, s23;
	s22 =	sadd.s32 s25, s22  }
0x35: {  	s23 =	sshra.s32 s16, $0x4;
	s25 =	sadd.s32 s26, s0;
	s0 =	smulhi.u32 $0x51EB851F, s15  }
0x36: {  	s26 =	sshrl.u32 s31, $0x1F;
	s16 =	sshrl.u32 s22, $0x1F;
	s15 =	sshrl.u32 s25, $0x1F  }
0x37: {  	v6 =	vmov s1;
	v5 =	vmov s26;
	s26 =	rddreg [dreg:$0x6];
	s1 =	sshra.s32 s25, $0x4;
	s3 =	sadd.s32 s3, s6  }
0x38: {  	s6 =	sadd.s32 s7, s28;
	s7 =	sadd.s32 s14, s26;
	s14 =	sadd.s32 s9, s0  }
0x39: {  	s0 =	smulhi.u32 $0x51EB851F, s21;
	s21 =	sshrl.u32 s12, $0x1F;
	s9 =	sshra.s32 s17, $0x4  }
0x3a: {  	s26 =	sshrl.u32 s3, $0x1F;
	s28 =	sshrl.u32 s7, $0x1F;
	v4 =	vsel vm11, s9, v4;
	s9 =	sshra.s32 s22, $0x4  }
0x3b: {  	s31 =	sadd.s32 s2, s0;
	v7 =	vmov s28;
	s2 =	sshra.s32 s7, $0x4;
	s7 =	sshra.s32 s14, $0x4  }
0x3c: {  	s0 =	sshra.s32 s10, $0x4;
	v4 =	vsel vm15, s5, v4;
	s10 =	sshra.s32 s22, $0x1F;
	v7 =	vsel vm6, s29, v7;
	v6 =	vsel vm6, s7, v6;
	s7 =	sshra.s32 s31, $0x4  }
0x3d: {  	s22 =	sshra.s32 s6, $0x4;
	s5 =	sshra.s32 s31, $0x1F;
	v8 =	vmov s2;
	s2 =	sshra.s32 s25, $0x1F;
	v7 =	vsel vm3, s21, v7;
	v4 =	vsel vm6, s7, v4  }
0x3e: {  	s25 =	sshra.s32 s12, $0x4;
	s12 =	sshrl.u32 s14, $0x1F;
	v8 =	vsel vm6, s23, v8;
	v7 =	vsel vm2, s26, v7;
	s26 =	sshrl.u32 s17, $0x1F;
	v4 =	vsel vm14, s5, v4  }
0x3f: {  	s11 =	sadd.s32 s19, s11;
	s21 =	sshra.s32 s6, $0x1F;
	v5 =	vsel vm6, s12, v5;
	v9 =	vmov s26;
	s26 =	smul.u32 $0x51EB851F, s18;
	v4 =	vsel vm3, s22, v4  }
0x40: {  	s19 =	sshra.s32 s11, $0x4;
	s3 =	sshra.s32 s3, $0x4;
	v6 =	vsel vm3, s0, v6;
	v8 =	vsel vm3, s25, v8;
	v4 =	vsel vm13, s21, v4  }
0x41: {  	s23 =	sshra.s32 s11, $0x1F;
	v5 =	vsel vm3, s30, v5;
	s5 =	sshra.s32 s24, $0x4;
	v8 =	vsel vm2, s3, v8;
	s18 =	sadd.s32 s26, s13;
	v4 =	vsel vm2, s19, v4  }
0x42: {  	s14 =	sshrl.u32 s31, $0x1F;
	s17 =	sshrl.u32 s6, $0x1F;
	v6 =	vsel vm2, s5, v6;
	v9 =	vnsel vm11, $0x0, v9;
	v4 =	vsel vm12, s23, v4;
	s26 =	sshra.s32 s18, $0x4  }
0x43: {  	s22 =	sshrl.u32 s11, $0x1F;
	s11 =	rddreg [dreg:$0x4];
	v6 =	vcombine.low v6, v8;
	v9 =	vsel vm6, s14, v9;
	s30 =	sshra.s32 s18, $0x1F;
	v4 =	vsel vm8, s26, v4  }
0x44: {  	s21 =	sshrl.u32 s24, $0x1F;
	v62 =	vor.u32 s11, v1;
	v9 =	vsel vm3, s17, v9;
	v4 =	vsel vm10, s30, v4  }
0x45: {  	v5 =	vsel vm2, s21, v5;
	s25 =	sshrl.u32 s18, $0x1F;
	v9 =	vsel vm2, s22, v9;
	v4 =	vsel vm5, s9, v4  }
0x46: {  	v5 =	vcombine.low v5, v7;
	v7 =	vsel vm8, s25, v9;
	v4 =	vsel vm9, s10, v4  }
0x47: {  	s6 =	rddreg [dreg:$0x5];
	v63 =	vmulhi.u32 $0xAAAAAAAB, v62;
	v7 =	vsel vm5, s16, v7;
	v4 =	vsel vm4, s1, v4  }
0x48: {  	s7 =	sshrl.u32 s6, $0x1F;
	s12 =	sshra.s32 s6, $0x4;
	v6 =	vperm.xlane v6, v2;
	v7 =	vsel vm4, s15, v7;
	v4 =	vsel vm7, s2, v4  }
0x49: {  	v5 =	vperm.xlane v5, v2;
	v7 =	vsel vm1, s7, v7;
	v4 =	vsel vm1, s12, v4  }
0x4a: {  	v7 =	vperm.xlane v7, v3;
	v4 =	vperm.xlane v4, v3  }
0x4b: {  	v9 =	vshrl.u32 v63, $0x2  }
0x4c: {  	v9 =	vmul.u32 $0x6, v9;
	v5 =	vsel vm0, v7, v5;
	v4 =	vsel vm0, v4, v6  }
0x4d: {  	v4 =	vadd.s32 v5, v4  }
0x4e: {  	v5 =	vsub.s32 v62, v9;
	v4 =	vmul.u32 $0x32, v4  }
0x4f: {  	v5 =	vmul.u32 $0x32, v5  }
0x50: {  	s4 =	rddreg [dreg:$0x2];
	v0 =	vsub.s32 v0, v4  }
0x51: {  	s14 =	rddreg [dreg:$0x3];
	v0 =	vadd.s32 v5, v0  }
0x52: {  	s4 =	sadd.s32 $0x10, s4;
	[tilespmem:s14+$0x0] =	vst v0  }
0x53: {  	v0 =	vld [tilespmem:s4+$0x0];
	_ =	sdelay $0x4  }
0x54: {  	(v2sf) =	vpush v0, $0xC  }
0x55: {  	(v2sf) =	vpush v0, $0x7;
	_ =	sdelay $0x1  }
0x56: {  	(v2sf) =	vpush v0, $0x0  }
0x57: {  	(v2sf) =	vpush v0, $0x8;
	_ =	sdelay $0x1  }
0x58: {  	(v2sf) =	vpush v0, $0xD;
	_ =	sdelay $0x1  }
0x59: {  	(v2sf) =	vpush v0, $0x9;
	_ =	sdelay $0x1  }
0x5a: {  	(v2sf) =	vpush v0, $0xE  }
0x5b: {  	(v2sf) =	vpush v0, $0x5;
	_ =	sdelay $0x1  }
0x5c: {  	(v2sf) =	vpush v0, $0x2  }
0x5d: {  	(v2sf) =	vpush v0, $0xA  }
0x5e: {  	s20 =	smov.u32 s8;
	[dreg:$0x2] =	wrdreg s4;
	s16 =	spop (v2sf)  }
0x5f: {  	s13 =	smov.u32 s20;
	s17 =	smulhi.u32 $0x51EB851F, s16;
	s18 =	spop (v2sf)  }
0x60: {  	[dreg:$0x4] =	wrdreg s13;
	(v2sf) =	vpush v0, $0x6;
	s0 =	sshra.s32 s16, $0x1F;
	s19 =	smulhi.u32 $0x51EB851F, s18  }
0x61: {  	s1 =	sshra.s32 s18, $0x1F;
	s20 =	spop (v2sf);
	s14 =	smul.u32 $0x51EB851F, s0  }
0x62: {  	p0 =	sne.s32 s8, $0x2F0;
	(v2sf) =	vpush v0, $0xF;
	s22 =	smul.u32 $0x51EB851F, s1;
	s23 =	spop (v2sf)  }
0x63: {  	(v2sf) =	vpush v0, $0xB;
	[dreg:$0x6] =	wrdreg s17;
	s21 =	sshra.s32 s20, $0x1F;
	s1 =	smulhi.u32 $0x51EB851F, s23  }
0x64: {  	s15 =	smov.u32 s4;
	(v2sf) =	vpush v0, $0x1;
	s24 =	spop (v2sf);
	s17 =	smul.u32 $0x51EB851F, s21  }
0x65: {  	[dreg:$0x3] =	wrdreg s15;
	(v2sf) =	vpush v0, $0x3;
	s7 =	sshra.s32 s23, $0x1F;
	s25 =	smulhi.u32 $0x51EB851F, s24  }
0x66: {  	(v2sf) =	vpush v0, $0x4;
	s26 =	sadd.s32 s22, s19;
	s6 =	smul.u32 $0x51EB851F, s7;
	s15 =	spop (v2sf)  }
0x67: {  	s30 =	sshra.s32 s24, $0x1F;
	s7 =	smulhi.u32 $0x51EB851F, s20;
	[dreg:$0x5] =	wrdreg s26  }
0x68: {  	s8 =	sadd.s32 $0x10, s8;
	s5 =	spop (v2sf);
	s2 =	smul.u32 $0x51EB851F, s30  }
0x69: {  	s4 =	sshra.s32 s26, $0x1F;
	s11 =	spop (v2sf);
	s12 =	smulhi.u32 $0x51EB851F, s5  }
0x6a: {  	s24 =	sshra.s32 s15, $0x1F;
	s0 =	sshra.s32 s5, $0x1F;
	s22 =	smulhi.u32 $0x51EB851F, s11  }
0x6b: {  	s31 =	sadd.s32 s6, s1;
	s9 =	spop (v2sf);
	s0 =	smul.u32 $0x51EB851F, s0  }
0x6c: {  	s17 =	sadd.s32 s17, s7;
	s18 =	spop (v2sf);
	s28 =	smulhi.u32 $0x51EB851F, s9  }
0x6d: {  	s16 =	sadd.s32 s2, s25;
	s19 =	smulhi.u32 $0x51EB851F, s18;
	s25 =	sshra.s32 s18, $0x1F  }
0x6e: {  	s13 =	sshra.s32 s11, $0x1F;
	s1 =	sshra.s32 s31, $0x4;
	s10 =	smul.u32 $0x51EB851F, s25  }
0x6f: {  	s29 =	sshrl.u32 s16, $0x1F;
	s20 =	spop (v2sf);
	s25 =	smul.u32 $0x51EB851F, s13  }
0x70: {  	s12 =	sadd.s32 s0, s12;
	s26 =	sshra.s32 s20, $0x1F;
	s0 =	smulhi.u32 $0x51EB851F, s20  }
0x71: {  	s23 =	spop (v2sf);
	s20 =	sshra.s32 s9, $0x1F;
	s26 =	smul.u32 $0x51EB851F, s26  }
.Ltmp0:
0x72: {  	s3 =	sshra.s32 s23, $0x1F;
	s30 =	spop (v2sf);
	(pc) =	sbr.rel @p0 .LBB2_1-.Ltmp0, $4  }
0x73: {  	v4 =	vmov s4;
	s4 =	sshra.s32 s30, $0x1F;
	s21 =	spop (v2sf);
	s5 =	smulhi.u32 $0x51EB851F, s30  }
0x74: {  	s10 =	sadd.s32 s10, s19;
	s6 =	smul.u32 $0x51EB851F, s4;
	s13 =	spop (v2sf)  }
0x75: {  	s2 =	sshra.s32 s21, $0x1F;
	s11 =	smulhi.u32 $0x51EB851F, s13;
	s18 =	spop (v2sf)  }
0x76: {  	s19 =	sshra.s32 s13, $0x1F;
	s13 =	smulhi.u32 $0x51EB851F, s18;
	s18 =	sshra.s32 s18, $0x1F  }
0x77: {  	s7 =	smul.u32 $0x51EB851F, s20  }
0x78: {  	s9 =	smul.u32 $0x51EB851F, s24  }
0x79: {  	s23 =	smulhi.u32 $0x51EB851F, s23  }
0x7a: {  	s3 =	smul.u32 $0x51EB851F, s3  }
0x7b: {  	s24 =	smulhi.u32 $0x51EB851F, s15  }
0x7c: {  	s8 =	sadd.s32 s6, s5;
	s2 =	smul.u32 $0x51EB851F, s2  }
0x7d: {  	s15 =	sadd.s32 s25, s22;
	s4 =	sadd.s32 s26, s0;
	s30 =	smulhi.u32 $0x51EB851F, s21  }
0x7e: {  	s21 =	sshra.s32 s17, $0x1F;
	s22 =	sshrl.u32 s12, $0x1F;
	s25 =	smul.u32 $0x51EB851F, s19  }
0x7f: {  	s0 =	sadd.s32 s3, s23;
	s5 =	sadd.s32 s7, s28;
	s7 =	rddreg [dreg:$0x6]  }
0x80: {  	s2 =	sadd.s32 s2, s30;
	s23 =	sshra.s32 s17, $0x4;
	s6 =	sadd.s32 s14, s7  }
0x81: {  	v7 =	vmov s1;
	s30 =	smul.u32 $0x51EB851F, s18;
	s17 =	sshrl.u32 s17, $0x1F;
	s20 =	sshrl.u32 s6, $0x1F  }
0x82: {  	s18 =	sshra.s32 s16, $0x4;
	s7 =	sadd.s32 s9, s24;
	s14 =	sshrl.u32 s31, $0x1F;
	v4 =	vsel vm11, s23, v4;
	v9 =	vmov s17;
	v5 =	vmov s20  }
0x83: {  	s31 =	sadd.s32 s25, s11;
	v6 =	vmov s14;
	s24 =	sshra.s32 s6, $0x4;
	v4 =	vsel vm15, s21, v4;
	v5 =	vsel vm6, s29, v5;
	s29 =	sshra.s32 s2, $0x4  }
0x84: {  	s11 =	sshra.s32 s2, $0x1F;
	s28 =	sshra.s32 s7, $0x4;
	v9 =	vnsel vm11, $0x0, v9;
	s25 =	sshrl.u32 s7, $0x1F;
	v8 =	vmov s24;
	v4 =	vsel vm6, s29, v4  }
0x85: {  	s26 =	sshrl.u32 s0, $0x1F;
	v7 =	vsel vm6, s28, v7;
	s20 =	sshra.s32 s5, $0x4;
	v6 =	vsel vm6, s25, v6;
	s28 =	sshrl.u32 s10, $0x1F;
	v4 =	vsel vm14, s11, v4  }
0x86: {  	s0 =	sshra.s32 s0, $0x4;
	s21 =	sshra.s32 s5, $0x1F;
	s7 =	sshra.s32 s10, $0x4;
	v8 =	vsel vm6, s18, v8;
	v6 =	vsel vm3, s28, v6;
	v4 =	vsel vm3, s20, v4  }
0x87: {  	s24 =	sshra.s32 s31, $0x4;
	s10 =	sshra.s32 s8, $0x4;
	s2 =	sshrl.u32 s2, $0x1F;
	v7 =	vsel vm3, s7, v7;
	v5 =	vsel vm3, s22, v5;
	v4 =	vsel vm13, s21, v4  }
0x88: {  	s19 =	sadd.s32 s30, s13;
	s1 =	sshra.s32 s31, $0x1F;
	s22 =	sshra.s32 s12, $0x4;
	v9 =	vsel vm6, s2, v9;
	v7 =	vsel vm2, s10, v7;
	v4 =	vsel vm2, s24, v4  }
0x89: {  	s23 =	sshrl.u32 s5, $0x1F;
	s30 =	sshra.s32 s19, $0x4;
	s2 =	sshrl.u32 s8, $0x1F;
	v5 =	vsel vm2, s26, v5;
	v8 =	vsel vm3, s22, v8;
	v4 =	vsel vm12, s1, v4  }
0x8a: {  	s9 =	sshra.s32 s15, $0x1F;
	s3 =	sshra.s32 s19, $0x1F;
	v9 =	vsel vm3, s23, v9;
	s26 =	sshrl.u32 s31, $0x1F;
	v6 =	vsel vm2, s2, v6;
	v4 =	vsel vm8, s30, v4  }
0x8b: {  	s6 =	sshra.s32 s15, $0x4;
	s31 =	sshrl.u32 s15, $0x1F;
	s15 =	rddreg [dreg:$0x4];
	v8 =	vsel vm2, s0, v8;
	v9 =	vsel vm2, s26, v9;
	v4 =	vsel vm10, s3, v4  }
0x8c: {  	s29 =	sshrl.u32 s19, $0x1F;
	v5 =	vcombine.low v6, v5;
	v1 =	vor.u32 s15, v1;
	v4 =	vsel vm5, s6, v4  }
0x8d: {  	s11 =	sshra.s32 s4, $0x4;
	v9 =	vsel vm8, s29, v9;
	v7 =	vcombine.low v7, v8;
	v4 =	vsel vm9, s9, v4  }
0x8e: {  	s14 =	sshra.s32 s4, $0x1F;
	s5 =	sshrl.u32 s4, $0x1F;
	s12 =	rddreg [dreg:$0x5];
	v60 =	vmulhi.u32 $0xAAAAAAAB, v1;
	v9 =	vsel vm5, s31, v9;
	v4 =	vsel vm4, s11, v4  }
0x8f: {  	s13 =	sshrl.u32 s12, $0x1F;
	s16 =	sshra.s32 s12, $0x4;
	v5 =	vperm.xlane v5, v2;
	v9 =	vsel vm4, s5, v9;
	v4 =	vsel vm7, s14, v4  }
0x90: {  	v61 =	vperm.xlane v7, v2;
	v59 =	vsel vm1, s13, v9;
	v4 =	vsel vm1, s16, v4  }
0x91: {  	v6 =	vperm.xlane v59, v3;
	v62 =	vperm.xlane v4, v3  }
0x92: {  	v63 =	vshrl.u32 v60, $0x2  }
0x93: {  	v5 =	vsel vm0, v6, v5;
	v4 =	vmul.u32 $0x6, v63;
	v2 =	vsel vm0, v62, v61  }
0x94: {  	v2 =	vadd.s32 v5, v2  }
0x95: {  	v1 =	vsub.s32 v1, v4;
	v2 =	vmul.u32 $0x32, v2  }
0x96: {  	v1 =	vmul.u32 $0x32, v1  }
0x97: {  	v0 =	vsub.s32 v0, v2  }
0x98: {  	s17 =	rddreg [dreg:$0x3];
	s18 =	simm.s32 $0x180;
	v0 =	vadd.s32 v1, v0  }
0x99: {  	s19 =	simm.s32 $0x0;
	s20 =	simm.s32 $0x300;
	s21 =	rddreg [dreg:$0x7];
	[tilespmem:s17+$0x0] =	vst v0  }
0x9a: {  	[tilespmem:s20], [sflag:$0x1] =	stream.indirect.gather [hbm4b:s21+s18], $0x20, s19, s18, $0xb8;
	[tilespmem:$0x6300] =	vst v63  }
0x9b: {  	s22 =	simm.s32 $0x3300;
	s23 =	simm.s32 $0x1;
	s24 =	stileid.u32  }
0x9c: {  	[tilespmem:s22], [sflag:$0x1] =	stream.indirect.gather [hbm4b:s21+s18], $0x20, s18, s18, $0xb8;
	[tilespmem:$0x6300] =	vst v63  }
0x9d: {  	s25 =	smul.u32 $0xC00, s24;
	_ =	swait.ge [sflag:s23], $0x3000  }
0x9e: {  	[sflag:s23] =	ssyncset.done $0x0;
	s26 =	rddreg [dreg:$0x8]  }
0x9f: {  	s28 =	smul.u32 $0xC000, s24;
	s4 =	sadd.s32 s26, s25;
	[sflag:s23] =	ssyncadd.s32 $0xFFFFD000  }
0xa0: {  	[hbm4b:s4+s19] =	stream.linear.scatter [tilespmem:s20], [sflag:$0x2], $0x3000, $0x38;
	[tilespmem:$0x6300] =	vst v63  }
0xa1: {  	s29 =	sshrl.u32 s28, $0x4;
	_ =	swait.ge [sflag:s23], $0x3000  }
0xa2: {  	s2 =	sadd.s32 s26, s29;
	[sflag:s23] =	ssyncset.done $0x0  }
0xa3: {  	s31 =	simm.s32 $0x2;
	s30 =	sadd.s32 $0x600, s2;
	[sflag:s23] =	ssyncadd.s32 $0xFFFFD000  }
0xa4: {  	[hbm4b:s30+s19] =	stream.linear.scatter [tilespmem:s22], [sflag:$0x2], $0x3000, $0x38;
	[tilespmem:$0x6300] =	vst v63  }
0xa5: {  	_ =	swait.ge [sflag:s31], $0x3000  }
0xa6: {  	[sflag:s31] =	ssyncset.done $0x0  }
0xa7: {  	[sflag:s31] =	ssyncadd.s32 $0xFFFFD000  }
0xa8: {  	_ =	swait.ge [sflag:s31], $0x3000  }
0xa9: {  	[sflag:s31] =	ssyncset.done $0x0  }
0xaa: {  	[sflag:s31] =	ssyncadd.s32 $0xFFFFD000  }
0xab: {  	_ =	sfence.sel $0x180000  }
0xac: {  	[bflag:$0x0] =	sbarrier.arrive $0xFFFF  }
0xad: {  	_ =	strace $0x90000047  }
0xae: {  	[bflag:$0x2] =	sbarrier.arrive $0xFFFF  }
0xaf: {  	p0 =	sne.s32 s24, $0x0;
	s0 =	rddreg [dreg:$0x1]  }
0xb0: {  	s0 =	sadd.s32 @!p0 $0x100000, s0  }
0xb1: {  	[sflag:s0] =	ssyncadd.tile.s32 @!p0 $0x1;
	_ =	shalt  }
.Lfunc_end2:
_tile_overlayer_lowered:
.L_overlay_start_2:
0xb2: {  	(tag) =	ssettag $0x2  }
0xb3: {  	s0 =	rddreg [dreg:$0x0];
	s2 =	stileid.u32  }
0xb4: {  	s1 =	rddreg [dreg:$0x1];
	p0 =	sne.s32 s2, $0x0  }
0xb5: {  	s3 =	rddreg [dreg:$0x2];
	[bflag:$0x3] =	sbarrier.arrive $0xFFFF;
	s2 =	simm.s32 @!p0 $0x1C03  }
0xb6: {  	[timem:s3], [sflag:s2] =	dma.local @!p0 [hbm:s0], s1  }
0xb7: {  	s0 =	simm.s32 @!p0 $0x3  }
0xb8: {  	_ =	swait.ge @!p0 [sflag:s0], s1  }
0xb9: {  	s1 =	ssub.s32 @!p0 $0x0, s1;
	[sflag:s0] =	ssyncset.done @!p0 $0x0  }
0xba: {  	[sflag:s0] =	ssyncadd.s32 @!p0 s1  }
0xbb: {  	[bflag:$0x3] =	sbarrier.arrive $0xFFFF  }
0xbc: {  	_ =	shalt  }

</sc_bundles>
